<compile_context>
chip_gen: v7x
topology: tpu7x:2x2x1
jax: 0.10.2.dev20260603
libtpu: 0.0.44.dev20260713+nightly
codegen_flags: <defaults>
</compile_context>

<pallas_src>
import functools

import jax
import jax.numpy as jnp
from jax import lax
from jax.experimental import pallas as pl
from jax.experimental.pallas import tpu as pltpu
from jax.experimental.pallas import tpu_sc as plsc

MAXLEN = 200
EMBED = 64
LANES = 16
NC, NS = 2, 16
NW = NC * NS
BBLK = 128
NBH = 4096 // BBLK
EH, EL = EMBED // 8, 8
OBW = BBLK + 1


def _sc_embed(xt, tok2, pos_table):
    n_blocks = xt.shape[0]
    bpw = n_blocks // NW
    steps = bpw // 2
    mesh = plsc.VectorSubcoreMesh(core_axis_name="c", subcore_axis_name="s")

    @functools.partial(
        pl.kernel,
        out_type=jax.ShapeDtypeStruct((MAXLEN, EH, NBH, EL, BBLK), jnp.float32),
        mesh=mesh,
        scratch_types=[
            pltpu.VMEM((bpw, BBLK), jnp.int32),
            pltpu.VMEM((BBLK, EMBED), jnp.float32),
            pltpu.VMEM((BBLK, EMBED), jnp.float32),
            pltpu.VMEM((EMBED, OBW), jnp.float32),
            pltpu.VMEM((EMBED, OBW), jnp.float32),
            pltpu.VMEM((MAXLEN, EMBED), jnp.float32),
            pltpu.SemaphoreType.DMA,
            pltpu.SemaphoreType.DMA,
            pltpu.SemaphoreType.DMA,
            pltpu.SemaphoreType.DMA,
        ],
        compiler_params=pltpu.CompilerParams(
            use_tc_tiling_on_sc=False, needs_layout_passes=False),
    )
    def k(xt_hbm, tok_hbm, pos_hbm, out_hbm, idx_v, rows0, rows1, ob0, ob1,
          pos_v, gsem0, gsem1, ssem0, ssem1):
        wid = lax.axis_index("s") * NC + lax.axis_index("c")
        base = wid * bpw
        pltpu.sync_copy(pos_hbm, pos_v)
        pltpu.sync_copy(xt_hbm.at[pl.ds(base, bpw)], idx_v)

        iota = lax.iota(jnp.int32, LANES)
        e_ids = [iota + k * LANES for k in range(EMBED // LANES)]

        def transpose_add(rows, ob, p):
            pvs = [pos_v[p, pl.ds(k * LANES, LANES)]
                   for k in range(EMBED // LANES)]

            def body(t, carry):
                t16 = jnp.full((LANES,), 0, jnp.int32) + t
                for k in range(EMBED // LANES):
                    v = rows[t, pl.ds(k * LANES, LANES)] + pvs[k]
                    plsc.store_scatter(ob, [e_ids[k], t16], v)
                return carry

            return plsc.parallel_loop(0, BBLK, unroll=4,
                                      carry=jnp.int32(0))(body)

        def scat(ob, p, bh, sem, dep):
            for eh in range(EH):
                pltpu.async_copy(
                    ob.at[pl.ds(eh * EL + dep * 0, EL), pl.ds(0, BBLK)],
                    out_hbm.at[p, eh, bh], sem)

        def scat_wait(ob, p, bh, sem):
            for eh in range(EH):
                pltpu.make_async_copy(
                    ob.at[pl.ds(eh * EL, EL), pl.ds(0, BBLK)],
                    out_hbm.at[p, eh, bh], sem).wait()

        def blk(t):
            return (base + t) // NBH, (base + t) % NBH

        pltpu.async_copy(tok_hbm.at[idx_v.at[0]], rows0, gsem0)

        def step(g, carry):
            c0 = 2 * g
            p0, bh0 = blk(c0)
            p1, bh1 = blk(c0 + 1)
            pm1, bhm1 = blk(c0 - 1)
            pm2, bhm2 = blk(c0 - 2)

            pltpu.async_copy(tok_hbm.at[idx_v.at[c0 + 1]], rows1, gsem1)
            pltpu.make_async_copy(tok_hbm.at[idx_v.at[c0]], rows0, gsem0).wait()

            @pl.when(g > 0)
            def _():
                scat_wait(ob0, pm2, bhm2, ssem0)

            dep0 = transpose_add(rows0, ob0, p0)
            scat(ob0, p0, bh0, ssem0, dep0)

            @pl.when(g < steps - 1)
            def _():
                pltpu.async_copy(tok_hbm.at[idx_v.at[c0 + 2]], rows0, gsem0)

            pltpu.make_async_copy(tok_hbm.at[idx_v.at[c0 + 1]], rows1, gsem1).wait()

            @pl.when(g > 0)
            def _():
                scat_wait(ob1, pm1, bhm1, ssem1)

            dep1 = transpose_add(rows1, ob1, p1)
            scat(ob1, p1, bh1, ssem1, dep1)
            return carry

        lax.fori_loop(0, steps, step, 0)
        pL0, bhL0 = blk(bpw - 2)
        pL1, bhL1 = blk(bpw - 1)
        scat_wait(ob0, pL0, bhL0, ssem0)
        scat_wait(ob1, pL1, bhL1, ssem1)

    return k(xt, tok2, pos_table)


def kernel(x, token_table, pos_table):
    batch, seqlen = x.shape
    xt = jnp.transpose(x.astype(jnp.int32)).reshape(seqlen * (batch // BBLK), BBLK)
    tok_pairs = lax.optimization_barrier(
        jnp.reshape(token_table, (token_table.shape[0] // 2, 2 * EMBED)))
    tok2 = jnp.reshape(tok_pairs, (token_table.shape[0], EMBED))
    out5 = _sc_embed(xt, tok2, pos_table)
    out = jnp.transpose(out5, (2, 4, 0, 1, 3)).reshape(batch, seqlen, EMBED)
    return out

# --- scband reference (transcript-rebuilt; emitter-appended) ---
"""Pipeline reference for scband-token-and-position-embedding-47218870452411 (READ-ONLY COPY).

The authoritative reference and input builder live on the scoring server;
editing this copy changes nothing except your own understanding.
"""

import jax, jax.numpy as jnp
import numpy as np

MAXLEN = 200
VOCAB = 1000000
EMBED = 64
BATCH = 4096

def setup_inputs(seed: int = 0) -> dict:
    key = jax.random.key(seed)
    k1, k2, k3 = jax.random.split(key, 3)
    x = jax.random.randint(k1, (BATCH, MAXLEN), 0, VOCAB, dtype=jnp.int64 if jax.config.jax_enable_x64 else jnp.int32)
    token_table = jax.random.normal(k2, (VOCAB, EMBED), dtype=jnp.float32) * 0.05
    pos_table = jax.random.normal(k3, (MAXLEN, EMBED), dtype=jnp.float32) * 0.05
    return {"x": x, "token_table": token_table, "pos_table": pos_table}

def reference(x, token_table, pos_table):
    # TokenAndPositionEmbedding.call:
    #   maxlen = x.shape[-1]; positions = range(maxlen)
    #   pos = pos_emb(positions); tok = token_emb(x); return tok + pos
    maxlen = x.shape[-1]
    positions = jnp.arange(maxlen)
    pos = jnp.take(pos_table, positions, axis=0)          # [maxlen, embed]
    tok = jnp.take(token_table, x, axis=0)                # [B, maxlen, embed]
    return tok + pos[None, :, :]

if __name__ == "__main__":
    import jax
    _d = setup_inputs()
    print(jax.jit(kernel)(*tuple(_d.values())))

</pallas_src>

<mosaic_0001>
#map = affine_map<(d0, d1) -> (0, 0)>
#map1 = affine_map<(d0, d1) -> (0, 0, 0, 0, 0)>
module attributes {stable_mosaic.version = 14 : i64} {
  func.func @k(%arg0: i32, %arg1: i32, %arg2: memref<6400x128xi32, #tpu.memory_space<hbm>>, %arg3: memref<1000000x64xf32, #tpu.memory_space<hbm>>, %arg4: memref<200x64xf32, #tpu.memory_space<hbm>>, %arg5: memref<200x8x32x8x128xf32, #tpu.memory_space<hbm>>, %arg6: memref<200x128xi32, #tpu.memory_space<vmem>>, %arg7: memref<128x64xf32, #tpu.memory_space<vmem>>, %arg8: memref<128x64xf32, #tpu.memory_space<vmem>>, %arg9: memref<64x129xf32, #tpu.memory_space<vmem>>, %arg10: memref<64x129xf32, #tpu.memory_space<vmem>>, %arg11: memref<200x64xf32, #tpu.memory_space<vmem>>, %arg12: memref<!tpu.dma_semaphore, #tpu.memory_space<semaphore_mem>>, %arg13: memref<!tpu.dma_semaphore, #tpu.memory_space<semaphore_mem>>, %arg14: memref<!tpu.dma_semaphore, #tpu.memory_space<semaphore_mem>>, %arg15: memref<!tpu.dma_semaphore, #tpu.memory_space<semaphore_mem>>) attributes {dimension_semantics = [#tpu.dimension_semantics<core_parallel>, #tpu.dimension_semantics<subcore_parallel>], iteration_bounds = array<i64: 2, 16>, scalar_prefetch = 0 : i64, scratch_operands = 10 : i64, tpu.core_type = #tpu.core_type<sc_vector_subcore>, window_params = [{transform_indices = #map}, {transform_indices = #map}, {transform_indices = #map}, {transform_indices = #map1}]} {
    %mul3A = arith.constant 2 : i32
    %mul3A_0 = arith.muli %arg1, %mul3A : i32
    %add3A = arith.addi %mul3A_0, %arg0 : i32
    %mul3A_1 = arith.constant 200 : i32
    %mul3A_2 = arith.muli %add3A, %mul3A_1 : i32
    "tpu.region"() ({
      %run_scoped3A = tpu.sem_alloc : memref<!tpu.dma_semaphore, #tpu.memory_space<semaphore_mem>>
      tpu.enqueue_dma source(%arg4 : memref<200x64xf32, #tpu.memory_space<hbm>>) target(%arg11 : memref<200x64xf32, #tpu.memory_space<vmem>>) target_semaphore(%run_scoped3A : memref<!tpu.dma_semaphore, #tpu.memory_space<semaphore_mem>>)
      tpu.wait_dma2 semaphore(%run_scoped3A : memref<!tpu.dma_semaphore, #tpu.memory_space<semaphore_mem>>) src(%arg4 : memref<200x64xf32, #tpu.memory_space<hbm>>) dst(%arg11 : memref<200x64xf32, #tpu.memory_space<vmem>>)
      tpu.yield
    }) : () -> ()
    "tpu.region"() ({
      %run_scoped3A = tpu.sem_alloc : memref<!tpu.dma_semaphore, #tpu.memory_space<semaphore_mem>>
      %dma_start3A_343 = arith.constant 0 : i32
      %dma_start3A_344 = tpu.memref_slice %arg2[%mul3A_2, %dma_start3A_343] : memref<6400x128xi32, #tpu.memory_space<hbm>> -> memref<200x128xi32, #tpu.memory_space<hbm>>
      %dma_start3A_345 = arith.constant 0 : i32
      %dma_start3A_346 = tpu.memref_slice %arg2[%mul3A_2, %dma_start3A_345] : memref<6400x128xi32, #tpu.memory_space<hbm>> -> memref<200x128xi32, #tpu.memory_space<hbm>>
      tpu.enqueue_dma source(%dma_start3A_346 : memref<200x128xi32, #tpu.memory_space<hbm>>) target(%arg6 : memref<200x128xi32, #tpu.memory_space<vmem>>) target_semaphore(%run_scoped3A : memref<!tpu.dma_semaphore, #tpu.memory_space<semaphore_mem>>)
      %dma_wait3A_347 = arith.constant 0 : i32
      %dma_wait3A_348 = tpu.memref_slice %arg2[%mul3A_2, %dma_wait3A_347] : memref<6400x128xi32, #tpu.memory_space<hbm>> -> memref<200x128xi32, #tpu.memory_space<hbm>>
      %dma_wait3A_349 = arith.constant 0 : i32
      %dma_wait3A_350 = tpu.memref_slice %arg2[%mul3A_2, %dma_wait3A_349] : memref<6400x128xi32, #tpu.memory_space<hbm>> -> memref<200x128xi32, #tpu.memory_space<hbm>>
      tpu.wait_dma2 semaphore(%run_scoped3A : memref<!tpu.dma_semaphore, #tpu.memory_space<semaphore_mem>>) src(%dma_wait3A_350 : memref<200x128xi32, #tpu.memory_space<hbm>>) dst(%arg6 : memref<200x128xi32, #tpu.memory_space<vmem>>)
      tpu.yield
    }) : () -> ()
    %iota3A = tpu.iota {dimensions = array<i32: 0>} : vector<16xi32>
    %add3A_3 = arith.constant 0 : i32
    %add3A_4 = vector.broadcast %add3A_3 : i32 to vector<16xi32>
    %add3A_5 = arith.addi %iota3A, %add3A_4 : vector<16xi32>
    %add3A_6 = arith.constant 16 : i32
    %add3A_7 = vector.broadcast %add3A_6 : i32 to vector<16xi32>
    %add3A_8 = arith.addi %iota3A, %add3A_7 : vector<16xi32>
    %add3A_9 = arith.constant 32 : i32
    %add3A_10 = vector.broadcast %add3A_9 : i32 to vector<16xi32>
    %add3A_11 = arith.addi %iota3A, %add3A_10 : vector<16xi32>
    %add3A_12 = arith.constant 48 : i32
    %add3A_13 = vector.broadcast %add3A_12 : i32 to vector<16xi32>
    %add3A_14 = arith.addi %iota3A, %add3A_13 : vector<16xi32>
    %dma_start3A = arith.constant 0 : i32
    %dma_start3A_15 = arith.constant 0 : i32
    %dma_start3A_16 = tpu.memref_slice %arg6[%dma_start3A, %dma_start3A_15] : memref<200x128xi32, #tpu.memory_space<vmem>> -> memref<1x128xi32, #tpu.memory_space<vmem>>
    %dma_start3A_17 = tpu.memref_squeeze %dma_start3A_16 : memref<1x128xi32, #tpu.memory_space<vmem>> -> memref<128xi32, #tpu.memory_space<vmem>>
    %dma_start3A_18 = arith.constant 0 : i32
    %dma_start3A_19 = arith.constant 0 : i32
    %dma_start3A_20 = tpu.memref_slice %arg3[%dma_start3A_18, %dma_start3A_19] : memref<1000000x64xf32, #tpu.memory_space<hbm>> -> memref<1000000x64xf32, #tpu.memory_space<hbm>>
    tpu.enqueue_indirect_dma source(%dma_start3A_20 : memref<1000000x64xf32, #tpu.memory_space<hbm>>) target(%arg7 : memref<128x64xf32, #tpu.memory_space<vmem>>) offsets(%dma_start3A_17 : memref<128xi32, #tpu.memory_space<vmem>>) semaphore(%arg12 : memref<!tpu.dma_semaphore, #tpu.memory_space<semaphore_mem>>)
    %scan3A = arith.constant 0 : i32
    %scan3A_21 = arith.constant 0 : i32
    %scan3A_22 = arith.constant 100 : i32
    %scan3A_23 = arith.addi %scan3A_21, %scan3A_22 : i32
    %scan3A_24 = arith.constant 1 : i32
    scf.for %scan3A_343 = %scan3A_21 to %scan3A_23 step %scan3A_24  : i32 {
      %mul3A_344 = arith.constant 2 : i32
      %mul3A_345 = arith.muli %mul3A_344, %scan3A_343 : i32
      %add3A_346 = arith.addi %mul3A_2, %mul3A_345 : i32
      %jit3A_347 = arith.constant 32 : i32
      %div3A_348 = arith.divsi %add3A_346, %jit3A_347 : i32
      %sign3A_349 = arith.constant 0 : i32
      %sign3A_350 = arith.cmpi sgt, %add3A_346, %sign3A_349 : i32
      %sign3A_351 = arith.extui %sign3A_350 : i1 to i32
      %sign3A_352 = arith.constant 0 : i32
      %sign3A_353 = arith.cmpi slt, %add3A_346, %sign3A_352 : i32
      %sign3A_354 = arith.extui %sign3A_353 : i1 to i32
      %sign3A_355 = arith.subi %sign3A_351, %sign3A_354 : i32
      %sign3A_356 = arith.constant 0 : i32
      %sign3A_357 = arith.cmpi sgt, %jit3A_347, %sign3A_356 : i32
      %sign3A_358 = arith.extui %sign3A_357 : i1 to i32
      %sign3A_359 = arith.constant 0 : i32
      %sign3A_360 = arith.cmpi slt, %jit3A_347, %sign3A_359 : i32
      %sign3A_361 = arith.extui %sign3A_360 : i1 to i32
      %sign3A_362 = arith.subi %sign3A_358, %sign3A_361 : i32
      %ne3A_363 = arith.cmpi ne, %sign3A_355, %sign3A_362 : i32
      %rem3A_364 = arith.remsi %add3A_346, %jit3A_347 : i32
      %ne3A_365 = arith.constant 0 : i32
      %ne3A_366 = arith.cmpi ne, %rem3A_364, %ne3A_365 : i32
      %and3A_367 = arith.andi %ne3A_363, %ne3A_366 : i1
      %sub3A_368 = arith.constant 1 : i32
      %sub3A_369 = arith.subi %div3A_348, %sub3A_368 : i32
      %select_n3A_370 = arith.select %and3A_367, %sub3A_369, %div3A_348 : i32
      %add3A_371 = arith.addi %mul3A_2, %mul3A_345 : i32
      %jit3A_372 = arith.constant 32 : i32
      %eq3A_373 = arith.constant 0 : i32
      %eq3A_374 = arith.cmpi eq, %jit3A_372, %eq3A_373 : i32
      %jit3A_375 = arith.constant 1 : i32
      %select_n3A_376 = arith.select %eq3A_374, %jit3A_375, %jit3A_372 : i32
      %rem3A_377 = arith.remsi %add3A_371, %select_n3A_376 : i32
      %ne3A_378 = arith.constant 0 : i32
      %ne3A_379 = arith.cmpi ne, %rem3A_377, %ne3A_378 : i32
      %lt3A_380 = arith.constant 0 : i32
      %lt3A_381 = arith.cmpi slt, %rem3A_377, %lt3A_380 : i32
      %lt3A_382 = arith.constant 0 : i32
      %lt3A_383 = arith.cmpi slt, %select_n3A_376, %lt3A_382 : i32
      %ne3A_384 = arith.xori %lt3A_381, %lt3A_383 : i1
      %and3A_385 = arith.andi %ne3A_384, %ne3A_379 : i1
      %add3A_386 = arith.addi %rem3A_377, %select_n3A_376 : i32
      %select_n3A_387 = arith.select %and3A_385, %add3A_386, %rem3A_377 : i32
      %add3A_388 = arith.constant 1 : i32
      %add3A_389 = arith.addi %mul3A_345, %add3A_388 : i32
      %add3A_390 = arith.addi %mul3A_2, %add3A_389 : i32
      %jit3A_391 = arith.constant 32 : i32
      %div3A_392 = arith.divsi %add3A_390, %jit3A_391 : i32
      %sign3A_393 = arith.constant 0 : i32
      %sign3A_394 = arith.cmpi sgt, %add3A_390, %sign3A_393 : i32
      %sign3A_395 = arith.extui %sign3A_394 : i1 to i32
      %sign3A_396 = arith.constant 0 : i32
      %sign3A_397 = arith.cmpi slt, %add3A_390, %sign3A_396 : i32
      %sign3A_398 = arith.extui %sign3A_397 : i1 to i32
      %sign3A_399 = arith.subi %sign3A_395, %sign3A_398 : i32
      %sign3A_400 = arith.constant 0 : i32
      %sign3A_401 = arith.cmpi sgt, %jit3A_391, %sign3A_400 : i32
      %sign3A_402 = arith.extui %sign3A_401 : i1 to i32
      %sign3A_403 = arith.constant 0 : i32
      %sign3A_404 = arith.cmpi slt, %jit3A_391, %sign3A_403 : i32
      %sign3A_405 = arith.extui %sign3A_404 : i1 to i32
      %sign3A_406 = arith.subi %sign3A_402, %sign3A_405 : i32
      %ne3A_407 = arith.cmpi ne, %sign3A_399, %sign3A_406 : i32
      %rem3A_408 = arith.remsi %add3A_390, %jit3A_391 : i32
      %ne3A_409 = arith.constant 0 : i32
      %ne3A_410 = arith.cmpi ne, %rem3A_408, %ne3A_409 : i32
      %and3A_411 = arith.andi %ne3A_407, %ne3A_410 : i1
      %sub3A_412 = arith.constant 1 : i32
      %sub3A_413 = arith.subi %div3A_392, %sub3A_412 : i32
      %select_n3A_414 = arith.select %and3A_411, %sub3A_413, %div3A_392 : i32
      %add3A_415 = arith.addi %mul3A_2, %add3A_389 : i32
      %jit3A_416 = arith.constant 32 : i32
      %eq3A_417 = arith.constant 0 : i32
      %eq3A_418 = arith.cmpi eq, %jit3A_416, %eq3A_417 : i32
      %jit3A_419 = arith.constant 1 : i32
      %select_n3A_420 = arith.select %eq3A_418, %jit3A_419, %jit3A_416 : i32
      %rem3A_421 = arith.remsi %add3A_415, %select_n3A_420 : i32
      %ne3A_422 = arith.constant 0 : i32
      %ne3A_423 = arith.cmpi ne, %rem3A_421, %ne3A_422 : i32
      %lt3A_424 = arith.constant 0 : i32
      %lt3A_425 = arith.cmpi slt, %rem3A_421, %lt3A_424 : i32
      %lt3A_426 = arith.constant 0 : i32
      %lt3A_427 = arith.cmpi slt, %select_n3A_420, %lt3A_426 : i32
      %ne3A_428 = arith.xori %lt3A_425, %lt3A_427 : i1
      %and3A_429 = arith.andi %ne3A_428, %ne3A_423 : i1
      %add3A_430 = arith.addi %rem3A_421, %select_n3A_420 : i32
      %select_n3A_431 = arith.select %and3A_429, %add3A_430, %rem3A_421 : i32
      %sub3A_432 = arith.constant 1 : i32
      %sub3A_433 = arith.subi %mul3A_345, %sub3A_432 : i32
      %add3A_434 = arith.addi %mul3A_2, %sub3A_433 : i32
      %jit3A_435 = arith.constant 32 : i32
      %div3A_436 = arith.divsi %add3A_434, %jit3A_435 : i32
      %sign3A_437 = arith.constant 0 : i32
      %sign3A_438 = arith.cmpi sgt, %add3A_434, %sign3A_437 : i32
      %sign3A_439 = arith.extui %sign3A_438 : i1 to i32
      %sign3A_440 = arith.constant 0 : i32
      %sign3A_441 = arith.cmpi slt, %add3A_434, %sign3A_440 : i32
      %sign3A_442 = arith.extui %sign3A_441 : i1 to i32
      %sign3A_443 = arith.subi %sign3A_439, %sign3A_442 : i32
      %sign3A_444 = arith.constant 0 : i32
      %sign3A_445 = arith.cmpi sgt, %jit3A_435, %sign3A_444 : i32
      %sign3A_446 = arith.extui %sign3A_445 : i1 to i32
      %sign3A_447 = arith.constant 0 : i32
      %sign3A_448 = arith.cmpi slt, %jit3A_435, %sign3A_447 : i32
      %sign3A_449 = arith.extui %sign3A_448 : i1 to i32
      %sign3A_450 = arith.subi %sign3A_446, %sign3A_449 : i32
      %ne3A_451 = arith.cmpi ne, %sign3A_443, %sign3A_450 : i32
      %rem3A_452 = arith.remsi %add3A_434, %jit3A_435 : i32
      %ne3A_453 = arith.constant 0 : i32
      %ne3A_454 = arith.cmpi ne, %rem3A_452, %ne3A_453 : i32
      %and3A_455 = arith.andi %ne3A_451, %ne3A_454 : i1
      %sub3A_456 = arith.constant 1 : i32
      %sub3A_457 = arith.subi %div3A_436, %sub3A_456 : i32
      %select_n3A_458 = arith.select %and3A_455, %sub3A_457, %div3A_436 : i32
      %add3A_459 = arith.addi %mul3A_2, %sub3A_433 : i32
      %jit3A_460 = arith.constant 32 : i32
      %eq3A_461 = arith.constant 0 : i32
      %eq3A_462 = arith.cmpi eq, %jit3A_460, %eq3A_461 : i32
      %jit3A_463 = arith.constant 1 : i32
      %select_n3A_464 = arith.select %eq3A_462, %jit3A_463, %jit3A_460 : i32
      %rem3A_465 = arith.remsi %add3A_459, %select_n3A_464 : i32
      %ne3A_466 = arith.constant 0 : i32
      %ne3A_467 = arith.cmpi ne, %rem3A_465, %ne3A_466 : i32
      %lt3A_468 = arith.constant 0 : i32
      %lt3A_469 = arith.cmpi slt, %rem3A_465, %lt3A_468 : i32
      %lt3A_470 = arith.constant 0 : i32
      %lt3A_471 = arith.cmpi slt, %select_n3A_464, %lt3A_470 : i32
      %ne3A_472 = arith.xori %lt3A_469, %lt3A_471 : i1
      %and3A_473 = arith.andi %ne3A_472, %ne3A_467 : i1
      %add3A_474 = arith.addi %rem3A_465, %select_n3A_464 : i32
      %select_n3A_475 = arith.select %and3A_473, %add3A_474, %rem3A_465 : i32
      %sub3A_476 = arith.constant 2 : i32
      %sub3A_477 = arith.subi %mul3A_345, %sub3A_476 : i32
      %add3A_478 = arith.addi %mul3A_2, %sub3A_477 : i32
      %jit3A_479 = arith.constant 32 : i32
      %div3A_480 = arith.divsi %add3A_478, %jit3A_479 : i32
      %sign3A_481 = arith.constant 0 : i32
      %sign3A_482 = arith.cmpi sgt, %add3A_478, %sign3A_481 : i32
      %sign3A_483 = arith.extui %sign3A_482 : i1 to i32
      %sign3A_484 = arith.constant 0 : i32
      %sign3A_485 = arith.cmpi slt, %add3A_478, %sign3A_484 : i32
      %sign3A_486 = arith.extui %sign3A_485 : i1 to i32
      %sign3A_487 = arith.subi %sign3A_483, %sign3A_486 : i32
      %sign3A_488 = arith.constant 0 : i32
      %sign3A_489 = arith.cmpi sgt, %jit3A_479, %sign3A_488 : i32
      %sign3A_490 = arith.extui %sign3A_489 : i1 to i32
      %sign3A_491 = arith.constant 0 : i32
      %sign3A_492 = arith.cmpi slt, %jit3A_479, %sign3A_491 : i32
      %sign3A_493 = arith.extui %sign3A_492 : i1 to i32
      %sign3A_494 = arith.subi %sign3A_490, %sign3A_493 : i32
      %ne3A_495 = arith.cmpi ne, %sign3A_487, %sign3A_494 : i32
      %rem3A_496 = arith.remsi %add3A_478, %jit3A_479 : i32
      %ne3A_497 = arith.constant 0 : i32
      %ne3A_498 = arith.cmpi ne, %rem3A_496, %ne3A_497 : i32
      %and3A_499 = arith.andi %ne3A_495, %ne3A_498 : i1
      %sub3A_500 = arith.constant 1 : i32
      %sub3A_501 = arith.subi %div3A_480, %sub3A_500 : i32
      %select_n3A_502 = arith.select %and3A_499, %sub3A_501, %div3A_480 : i32
      %add3A_503 = arith.addi %mul3A_2, %sub3A_477 : i32
      %jit3A_504 = arith.constant 32 : i32
      %eq3A_505 = arith.constant 0 : i32
      %eq3A_506 = arith.cmpi eq, %jit3A_504, %eq3A_505 : i32
      %jit3A_507 = arith.constant 1 : i32
      %select_n3A_508 = arith.select %eq3A_506, %jit3A_507, %jit3A_504 : i32
      %rem3A_509 = arith.remsi %add3A_503, %select_n3A_508 : i32
      %ne3A_510 = arith.constant 0 : i32
      %ne3A_511 = arith.cmpi ne, %rem3A_509, %ne3A_510 : i32
      %lt3A_512 = arith.constant 0 : i32
      %lt3A_513 = arith.cmpi slt, %rem3A_509, %lt3A_512 : i32
      %lt3A_514 = arith.constant 0 : i32
      %lt3A_515 = arith.cmpi slt, %select_n3A_508, %lt3A_514 : i32
      %ne3A_516 = arith.xori %lt3A_513, %lt3A_515 : i1
      %and3A_517 = arith.andi %ne3A_516, %ne3A_511 : i1
      %add3A_518 = arith.addi %rem3A_509, %select_n3A_508 : i32
      %select_n3A_519 = arith.select %and3A_517, %add3A_518, %rem3A_509 : i32
      %add3A_520 = arith.constant 1 : i32
      %add3A_521 = arith.addi %mul3A_345, %add3A_520 : i32
      %dma_start3A_522 = arith.constant 0 : i32
      %dma_start3A_523 = tpu.memref_slice %arg6[%add3A_521, %dma_start3A_522] : memref<200x128xi32, #tpu.memory_space<vmem>> -> memref<1x128xi32, #tpu.memory_space<vmem>>
      %dma_start3A_524 = tpu.memref_squeeze %dma_start3A_523 : memref<1x128xi32, #tpu.memory_space<vmem>> -> memref<128xi32, #tpu.memory_space<vmem>>
      %dma_start3A_525 = arith.constant 0 : i32
      %dma_start3A_526 = arith.constant 0 : i32
      %dma_start3A_527 = tpu.memref_slice %arg3[%dma_start3A_525, %dma_start3A_526] : memref<1000000x64xf32, #tpu.memory_space<hbm>> -> memref<1000000x64xf32, #tpu.memory_space<hbm>>
      tpu.enqueue_indirect_dma source(%dma_start3A_527 : memref<1000000x64xf32, #tpu.memory_space<hbm>>) target(%arg8 : memref<128x64xf32, #tpu.memory_space<vmem>>) offsets(%dma_start3A_524 : memref<128xi32, #tpu.memory_space<vmem>>) semaphore(%arg13 : memref<!tpu.dma_semaphore, #tpu.memory_space<semaphore_mem>>)
      %dma_wait3A_528 = arith.constant 0 : i32
      %dma_wait3A_529 = tpu.memref_slice %arg6[%mul3A_345, %dma_wait3A_528] : memref<200x128xi32, #tpu.memory_space<vmem>> -> memref<1x128xi32, #tpu.memory_space<vmem>>
      %dma_wait3A_530 = tpu.memref_squeeze %dma_wait3A_529 : memref<1x128xi32, #tpu.memory_space<vmem>> -> memref<128xi32, #tpu.memory_space<vmem>>
      %dma_wait3A_531 = arith.constant 0 : i32
      %dma_wait3A_532 = arith.constant 0 : i32
      %dma_wait3A_533 = tpu.memref_slice %arg3[%dma_wait3A_531, %dma_wait3A_532] : memref<1000000x64xf32, #tpu.memory_space<hbm>> -> memref<1000000x64xf32, #tpu.memory_space<hbm>>
      tpu.wait_indirect_dma semaphore(%arg12 : memref<!tpu.dma_semaphore, #tpu.memory_space<semaphore_mem>>) src(%dma_wait3A_533 : memref<1000000x64xf32, #tpu.memory_space<hbm>>) dst(%arg7 : memref<128x64xf32, #tpu.memory_space<vmem>>)
      %gt3A = arith.constant 0 : i32
      %gt3A_534 = arith.cmpi sgt, %scan3A_343, %gt3A : i32
      %convert_element_type3A = arith.extui %gt3A_534 : i1 to i32
      %cond3A = arith.constant 0 : i32
      %cond3A_535 = arith.cmpi ne, %convert_element_type3A, %cond3A : i32
      scf.if %cond3A_535 {
        %dma_wait3A_858 = arith.constant 0 : i32
        %dma_wait3A_859 = arith.constant 0 : i32
        %dma_wait3A_860 = arith.constant 0 : i32
        %dma_wait3A_861 = tpu.memref_slice %arg9[%dma_wait3A_859, %dma_wait3A_860] : memref<64x129xf32, #tpu.memory_space<vmem>> -> memref<8x128xf32, #tpu.memory_space<vmem>>
        %dma_wait3A_862 = arith.constant 0 : i32
        %dma_wait3A_863 = arith.constant 0 : i32
        %dma_wait3A_864 = tpu.memref_slice %arg5[%select_n3A_502, %dma_wait3A_858, %select_n3A_519, %dma_wait3A_862, %dma_wait3A_863] : memref<200x8x32x8x128xf32, #tpu.memory_space<hbm>> -> memref<1x1x1x8x128xf32, #tpu.memory_space<hbm>>
        %dma_wait3A_865 = tpu.memref_squeeze %dma_wait3A_864 : memref<1x1x1x8x128xf32, #tpu.memory_space<hbm>> -> memref<8x128xf32, #tpu.memory_space<hbm>>
        %dma_wait3A_866 = arith.constant 0 : i32
        %dma_wait3A_867 = arith.constant 0 : i32
        %dma_wait3A_868 = tpu.memref_slice %arg5[%select_n3A_502, %dma_wait3A_858, %select_n3A_519, %dma_wait3A_866, %dma_wait3A_867] : memref<200x8x32x8x128xf32, #tpu.memory_space<hbm>> -> memref<1x1x1x8x128xf32, #tpu.memory_space<hbm>>
        %dma_wait3A_869 = tpu.memref_squeeze %dma_wait3A_868 : memref<1x1x1x8x128xf32, #tpu.memory_space<hbm>> -> memref<8x128xf32, #tpu.memory_space<hbm>>
        %dma_wait3A_870 = arith.constant 0 : i32
        %dma_wait3A_871 = arith.constant 0 : i32
        %dma_wait3A_872 = tpu.memref_slice %arg9[%dma_wait3A_870, %dma_wait3A_871] : memref<64x129xf32, #tpu.memory_space<vmem>> -> memref<8x128xf32, #tpu.memory_space<vmem>>
        tpu.wait_dma2 semaphore(%arg14 : memref<!tpu.dma_semaphore, #tpu.memory_space<semaphore_mem>>) src(%dma_wait3A_872 : memref<8x128xf32, #tpu.memory_space<vmem>>) dst(%dma_wait3A_869 : memref<8x128xf32, #tpu.memory_space<hbm>>)
        %dma_wait3A_873 = arith.constant 1 : i32
        %dma_wait3A_874 = arith.constant 8 : i32
        %dma_wait3A_875 = arith.constant 0 : i32
        %dma_wait3A_876 = tpu.memref_slice %arg9[%dma_wait3A_874, %dma_wait3A_875] : memref<64x129xf32, #tpu.memory_space<vmem>> -> memref<8x128xf32, #tpu.memory_space<vmem>>
        %dma_wait3A_877 = arith.constant 0 : i32
        %dma_wait3A_878 = arith.constant 0 : i32
        %dma_wait3A_879 = tpu.memref_slice %arg5[%select_n3A_502, %dma_wait3A_873, %select_n3A_519, %dma_wait3A_877, %dma_wait3A_878] : memref<200x8x32x8x128xf32, #tpu.memory_space<hbm>> -> memref<1x1x1x8x128xf32, #tpu.memory_space<hbm>>
        %dma_wait3A_880 = tpu.memref_squeeze %dma_wait3A_879 : memref<1x1x1x8x128xf32, #tpu.memory_space<hbm>> -> memref<8x128xf32, #tpu.memory_space<hbm>>
        %dma_wait3A_881 = arith.constant 0 : i32
        %dma_wait3A_882 = arith.constant 0 : i32
        %dma_wait3A_883 = tpu.memref_slice %arg5[%select_n3A_502, %dma_wait3A_873, %select_n3A_519, %dma_wait3A_881, %dma_wait3A_882] : memref<200x8x32x8x128xf32, #tpu.memory_space<hbm>> -> memref<1x1x1x8x128xf32, #tpu.memory_space<hbm>>
        %dma_wait3A_884 = tpu.memref_squeeze %dma_wait3A_883 : memref<1x1x1x8x128xf32, #tpu.memory_space<hbm>> -> memref<8x128xf32, #tpu.memory_space<hbm>>
        %dma_wait3A_885 = arith.constant 8 : i32
        %dma_wait3A_886 = arith.constant 0 : i32
        %dma_wait3A_887 = tpu.memref_slice %arg9[%dma_wait3A_885, %dma_wait3A_886] : memref<64x129xf32, #tpu.memory_space<vmem>> -> memref<8x128xf32, #tpu.memory_space<vmem>>
        tpu.wait_dma2 semaphore(%arg14 : memref<!tpu.dma_semaphore, #tpu.memory_space<semaphore_mem>>) src(%dma_wait3A_887 : memref<8x128xf32, #tpu.memory_space<vmem>>) dst(%dma_wait3A_884 : memref<8x128xf32, #tpu.memory_space<hbm>>)
        %dma_wait3A_888 = arith.constant 2 : i32
        %dma_wait3A_889 = arith.constant 16 : i32
        %dma_wait3A_890 = arith.constant 0 : i32
        %dma_wait3A_891 = tpu.memref_slice %arg9[%dma_wait3A_889, %dma_wait3A_890] : memref<64x129xf32, #tpu.memory_space<vmem>> -> memref<8x128xf32, #tpu.memory_space<vmem>>
        %dma_wait3A_892 = arith.constant 0 : i32
        %dma_wait3A_893 = arith.constant 0 : i32
        %dma_wait3A_894 = tpu.memref_slice %arg5[%select_n3A_502, %dma_wait3A_888, %select_n3A_519, %dma_wait3A_892, %dma_wait3A_893] : memref<200x8x32x8x128xf32, #tpu.memory_space<hbm>> -> memref<1x1x1x8x128xf32, #tpu.memory_space<hbm>>
        %dma_wait3A_895 = tpu.memref_squeeze %dma_wait3A_894 : memref<1x1x1x8x128xf32, #tpu.memory_space<hbm>> -> memref<8x128xf32, #tpu.memory_space<hbm>>
        %dma_wait3A_896 = arith.constant 0 : i32
        %dma_wait3A_897 = arith.constant 0 : i32
        %dma_wait3A_898 = tpu.memref_slice %arg5[%select_n3A_502, %dma_wait3A_888, %select_n3A_519, %dma_wait3A_896, %dma_wait3A_897] : memref<200x8x32x8x128xf32, #tpu.memory_space<hbm>> -> memref<1x1x1x8x128xf32, #tpu.memory_space<hbm>>
        %dma_wait3A_899 = tpu.memref_squeeze %dma_wait3A_898 : memref<1x1x1x8x128xf32, #tpu.memory_space<hbm>> -> memref<8x128xf32, #tpu.memory_space<hbm>>
        %dma_wait3A_900 = arith.constant 16 : i32
        %dma_wait3A_901 = arith.constant 0 : i32
        %dma_wait3A_902 = tpu.memref_slice %arg9[%dma_wait3A_900, %dma_wait3A_901] : memref<64x129xf32, #tpu.memory_space<vmem>> -> memref<8x128xf32, #tpu.memory_space<vmem>>
        tpu.wait_dma2 semaphore(%arg14 : memref<!tpu.dma_semaphore, #tpu.memory_space<semaphore_mem>>) src(%dma_wait3A_902 : memref<8x128xf32, #tpu.memory_space<vmem>>) dst(%dma_wait3A_899 : memref<8x128xf32, #tpu.memory_space<hbm>>)
        %dma_wait3A_903 = arith.constant 3 : i32
        %dma_wait3A_904 = arith.constant 24 : i32
        %dma_wait3A_905 = arith.constant 0 : i32
        %dma_wait3A_906 = tpu.memref_slice %arg9[%dma_wait3A_904, %dma_wait3A_905] : memref<64x129xf32, #tpu.memory_space<vmem>> -> memref<8x128xf32, #tpu.memory_space<vmem>>
        %dma_wait3A_907 = arith.constant 0 : i32
        %dma_wait3A_908 = arith.constant 0 : i32
        %dma_wait3A_909 = tpu.memref_slice %arg5[%select_n3A_502, %dma_wait3A_903, %select_n3A_519, %dma_wait3A_907, %dma_wait3A_908] : memref<200x8x32x8x128xf32, #tpu.memory_space<hbm>> -> memref<1x1x1x8x128xf32, #tpu.memory_space<hbm>>
        %dma_wait3A_910 = tpu.memref_squeeze %dma_wait3A_909 : memref<1x1x1x8x128xf32, #tpu.memory_space<hbm>> -> memref<8x128xf32, #tpu.memory_space<hbm>>
        %dma_wait3A_911 = arith.constant 0 : i32
        %dma_wait3A_912 = arith.constant 0 : i32
        %dma_wait3A_913 = tpu.memref_slice %arg5[%select_n3A_502, %dma_wait3A_903, %select_n3A_519, %dma_wait3A_911, %dma_wait3A_912] : memref<200x8x32x8x128xf32, #tpu.memory_space<hbm>> -> memref<1x1x1x8x128xf32, #tpu.memory_space<hbm>>
        %dma_wait3A_914 = tpu.memref_squeeze %dma_wait3A_913 : memref<1x1x1x8x128xf32, #tpu.memory_space<hbm>> -> memref<8x128xf32, #tpu.memory_space<hbm>>
        %dma_wait3A_915 = arith.constant 24 : i32
        %dma_wait3A_916 = arith.constant 0 : i32
        %dma_wait3A_917 = tpu.memref_slice %arg9[%dma_wait3A_915, %dma_wait3A_916] : memref<64x129xf32, #tpu.memory_space<vmem>> -> memref<8x128xf32, #tpu.memory_space<vmem>>
        tpu.wait_dma2 semaphore(%arg14 : memref<!tpu.dma_semaphore, #tpu.memory_space<semaphore_mem>>) src(%dma_wait3A_917 : memref<8x128xf32, #tpu.memory_space<vmem>>) dst(%dma_wait3A_914 : memref<8x128xf32, #tpu.memory_space<hbm>>)
        %dma_wait3A_918 = arith.constant 4 : i32
        %dma_wait3A_919 = arith.constant 32 : i32
        %dma_wait3A_920 = arith.constant 0 : i32
        %dma_wait3A_921 = tpu.memref_slice %arg9[%dma_wait3A_919, %dma_wait3A_920] : memref<64x129xf32, #tpu.memory_space<vmem>> -> memref<8x128xf32, #tpu.memory_space<vmem>>
        %dma_wait3A_922 = arith.constant 0 : i32
        %dma_wait3A_923 = arith.constant 0 : i32
        %dma_wait3A_924 = tpu.memref_slice %arg5[%select_n3A_502, %dma_wait3A_918, %select_n3A_519, %dma_wait3A_922, %dma_wait3A_923] : memref<200x8x32x8x128xf32, #tpu.memory_space<hbm>> -> memref<1x1x1x8x128xf32, #tpu.memory_space<hbm>>
        %dma_wait3A_925 = tpu.memref_squeeze %dma_wait3A_924 : memref<1x1x1x8x128xf32, #tpu.memory_space<hbm>> -> memref<8x128xf32, #tpu.memory_space<hbm>>
        %dma_wait3A_926 = arith.constant 0 : i32
        %dma_wait3A_927 = arith.constant 0 : i32
        %dma_wait3A_928 = tpu.memref_slice %arg5[%select_n3A_502, %dma_wait3A_918, %select_n3A_519, %dma_wait3A_926, %dma_wait3A_927] : memref<200x8x32x8x128xf32, #tpu.memory_space<hbm>> -> memref<1x1x1x8x128xf32, #tpu.memory_space<hbm>>
        %dma_wait3A_929 = tpu.memref_squeeze %dma_wait3A_928 : memref<1x1x1x8x128xf32, #tpu.memory_space<hbm>> -> memref<8x128xf32, #tpu.memory_space<hbm>>
        %dma_wait3A_930 = arith.constant 32 : i32
        %dma_wait3A_931 = arith.constant 0 : i32
        %dma_wait3A_932 = tpu.memref_slice %arg9[%dma_wait3A_930, %dma_wait3A_931] : memref<64x129xf32, #tpu.memory_space<vmem>> -> memref<8x128xf32, #tpu.memory_space<vmem>>
        tpu.wait_dma2 semaphore(%arg14 : memref<!tpu.dma_semaphore, #tpu.memory_space<semaphore_mem>>) src(%dma_wait3A_932 : memref<8x128xf32, #tpu.memory_space<vmem>>) dst(%dma_wait3A_929 : memref<8x128xf32, #tpu.memory_space<hbm>>)
        %dma_wait3A_933 = arith.constant 5 : i32
        %dma_wait3A_934 = arith.constant 40 : i32
        %dma_wait3A_935 = arith.constant 0 : i32
        %dma_wait3A_936 = tpu.memref_slice %arg9[%dma_wait3A_934, %dma_wait3A_935] : memref<64x129xf32, #tpu.memory_space<vmem>> -> memref<8x128xf32, #tpu.memory_space<vmem>>
        %dma_wait3A_937 = arith.constant 0 : i32
        %dma_wait3A_938 = arith.constant 0 : i32
        %dma_wait3A_939 = tpu.memref_slice %arg5[%select_n3A_502, %dma_wait3A_933, %select_n3A_519, %dma_wait3A_937, %dma_wait3A_938] : memref<200x8x32x8x128xf32, #tpu.memory_space<hbm>> -> memref<1x1x1x8x128xf32, #tpu.memory_space<hbm>>
        %dma_wait3A_940 = tpu.memref_squeeze %dma_wait3A_939 : memref<1x1x1x8x128xf32, #tpu.memory_space<hbm>> -> memref<8x128xf32, #tpu.memory_space<hbm>>
        %dma_wait3A_941 = arith.constant 0 : i32
        %dma_wait3A_942 = arith.constant 0 : i32
        %dma_wait3A_943 = tpu.memref_slice %arg5[%select_n3A_502, %dma_wait3A_933, %select_n3A_519, %dma_wait3A_941, %dma_wait3A_942] : memref<200x8x32x8x128xf32, #tpu.memory_space<hbm>> -> memref<1x1x1x8x128xf32, #tpu.memory_space<hbm>>
        %dma_wait3A_944 = tpu.memref_squeeze %dma_wait3A_943 : memref<1x1x1x8x128xf32, #tpu.memory_space<hbm>> -> memref<8x128xf32, #tpu.memory_space<hbm>>
        %dma_wait3A_945 = arith.constant 40 : i32
        %dma_wait3A_946 = arith.constant 0 : i32
        %dma_wait3A_947 = tpu.memref_slice %arg9[%dma_wait3A_945, %dma_wait3A_946] : memref<64x129xf32, #tpu.memory_space<vmem>> -> memref<8x128xf32, #tpu.memory_space<vmem>>
        tpu.wait_dma2 semaphore(%arg14 : memref<!tpu.dma_semaphore, #tpu.memory_space<semaphore_mem>>) src(%dma_wait3A_947 : memref<8x128xf32, #tpu.memory_space<vmem>>) dst(%dma_wait3A_944 : memref<8x128xf32, #tpu.memory_space<hbm>>)
        %dma_wait3A_948 = arith.constant 6 : i32
        %dma_wait3A_949 = arith.constant 48 : i32
        %dma_wait3A_950 = arith.constant 0 : i32
        %dma_wait3A_951 = tpu.memref_slice %arg9[%dma_wait3A_949, %dma_wait3A_950] : memref<64x129xf32, #tpu.memory_space<vmem>> -> memref<8x128xf32, #tpu.memory_space<vmem>>
        %dma_wait3A_952 = arith.constant 0 : i32
        %dma_wait3A_953 = arith.constant 0 : i32
        %dma_wait3A_954 = tpu.memref_slice %arg5[%select_n3A_502, %dma_wait3A_948, %select_n3A_519, %dma_wait3A_952, %dma_wait3A_953] : memref<200x8x32x8x128xf32, #tpu.memory_space<hbm>> -> memref<1x1x1x8x128xf32, #tpu.memory_space<hbm>>
        %dma_wait3A_955 = tpu.memref_squeeze %dma_wait3A_954 : memref<1x1x1x8x128xf32, #tpu.memory_space<hbm>> -> memref<8x128xf32, #tpu.memory_space<hbm>>
        %dma_wait3A_956 = arith.constant 0 : i32
        %dma_wait3A_957 = arith.constant 0 : i32
        %dma_wait3A_958 = tpu.memref_slice %arg5[%select_n3A_502, %dma_wait3A_948, %select_n3A_519, %dma_wait3A_956, %dma_wait3A_957] : memref<200x8x32x8x128xf32, #tpu.memory_space<hbm>> -> memref<1x1x1x8x128xf32, #tpu.memory_space<hbm>>
        %dma_wait3A_959 = tpu.memref_squeeze %dma_wait3A_958 : memref<1x1x1x8x128xf32, #tpu.memory_space<hbm>> -> memref<8x128xf32, #tpu.memory_space<hbm>>
        %dma_wait3A_960 = arith.constant 48 : i32
        %dma_wait3A_961 = arith.constant 0 : i32
        %dma_wait3A_962 = tpu.memref_slice %arg9[%dma_wait3A_960, %dma_wait3A_961] : memref<64x129xf32, #tpu.memory_space<vmem>> -> memref<8x128xf32, #tpu.memory_space<vmem>>
        tpu.wait_dma2 semaphore(%arg14 : memref<!tpu.dma_semaphore, #tpu.memory_space<semaphore_mem>>) src(%dma_wait3A_962 : memref<8x128xf32, #tpu.memory_space<vmem>>) dst(%dma_wait3A_959 : memref<8x128xf32, #tpu.memory_space<hbm>>)
        %dma_wait3A_963 = arith.constant 7 : i32
        %dma_wait3A_964 = arith.constant 56 : i32
        %dma_wait3A_965 = arith.constant 0 : i32
        %dma_wait3A_966 = tpu.memref_slice %arg9[%dma_wait3A_964, %dma_wait3A_965] : memref<64x129xf32, #tpu.memory_space<vmem>> -> memref<8x128xf32, #tpu.memory_space<vmem>>
        %dma_wait3A_967 = arith.constant 0 : i32
        %dma_wait3A_968 = arith.constant 0 : i32
        %dma_wait3A_969 = tpu.memref_slice %arg5[%select_n3A_502, %dma_wait3A_963, %select_n3A_519, %dma_wait3A_967, %dma_wait3A_968] : memref<200x8x32x8x128xf32, #tpu.memory_space<hbm>> -> memref<1x1x1x8x128xf32, #tpu.memory_space<hbm>>
        %dma_wait3A_970 = tpu.memref_squeeze %dma_wait3A_969 : memref<1x1x1x8x128xf32, #tpu.memory_space<hbm>> -> memref<8x128xf32, #tpu.memory_space<hbm>>
        %dma_wait3A_971 = arith.constant 0 : i32
        %dma_wait3A_972 = arith.constant 0 : i32
        %dma_wait3A_973 = tpu.memref_slice %arg5[%select_n3A_502, %dma_wait3A_963, %select_n3A_519, %dma_wait3A_971, %dma_wait3A_972] : memref<200x8x32x8x128xf32, #tpu.memory_space<hbm>> -> memref<1x1x1x8x128xf32, #tpu.memory_space<hbm>>
        %dma_wait3A_974 = tpu.memref_squeeze %dma_wait3A_973 : memref<1x1x1x8x128xf32, #tpu.memory_space<hbm>> -> memref<8x128xf32, #tpu.memory_space<hbm>>
        %dma_wait3A_975 = arith.constant 56 : i32
        %dma_wait3A_976 = arith.constant 0 : i32
        %dma_wait3A_977 = tpu.memref_slice %arg9[%dma_wait3A_975, %dma_wait3A_976] : memref<64x129xf32, #tpu.memory_space<vmem>> -> memref<8x128xf32, #tpu.memory_space<vmem>>
        tpu.wait_dma2 semaphore(%arg14 : memref<!tpu.dma_semaphore, #tpu.memory_space<semaphore_mem>>) src(%dma_wait3A_977 : memref<8x128xf32, #tpu.memory_space<vmem>>) dst(%dma_wait3A_974 : memref<8x128xf32, #tpu.memory_space<hbm>>)
      } else {
      }
      %get3A = arith.index_cast %select_n3A_370 : i32 to index
      %get3A_536 = arith.constant 0 : index
      %get3A_537 = tpu.vector_load %arg11[%get3A, %get3A_536] {strides = array<i32>} : memref<200x64xf32, #tpu.memory_space<vmem>>, vector<16xf32>,
      %get3A_538 = arith.index_cast %select_n3A_370 : i32 to index
      %get3A_539 = arith.constant 16 : index
      %get3A_540 = tpu.vector_load %arg11[%get3A_538, %get3A_539] {strides = array<i32>} : memref<200x64xf32, #tpu.memory_space<vmem>>, vector<16xf32>,
      %get3A_541 = arith.index_cast %select_n3A_370 : i32 to index
      %get3A_542 = arith.constant 32 : index
      %get3A_543 = tpu.vector_load %arg11[%get3A_541, %get3A_542] {strides = array<i32>} : memref<200x64xf32, #tpu.memory_space<vmem>>, vector<16xf32>,
      %get3A_544 = arith.index_cast %select_n3A_370 : i32 to index
      %get3A_545 = arith.constant 48 : index
      %get3A_546 = tpu.vector_load %arg11[%get3A_544, %get3A_545] {strides = array<i32>} : memref<200x64xf32, #tpu.memory_space<vmem>>, vector<16xf32>,
      %parallel_loop3A = arith.constant 0 : i32
      %parallel_loop3A_547 = arith.constant 128 : i32
      %parallel_loop3A_548 = arith.constant 1 : i32
      %parallel_loop3A_549 = arith.constant 0 : i32
      %parallel_loop3A_550 = scf.for %parallel_loop3A_858 = %parallel_loop3A to %parallel_loop3A_547 step %parallel_loop3A_548 iter_args(%parallel_loop3A_859 = %parallel_loop3A_549) -> (i32)  : i32 {
        %parallel_loop3A_860 = arith.constant 0 : i32
        %parallel_loop3A_861 = vector.broadcast %parallel_loop3A_860 : i32 to vector<16xi32>
        %parallel_loop3A_862 = vector.broadcast %parallel_loop3A_858 : i32 to vector<16xi32>
        %parallel_loop3A_863 = arith.addi %parallel_loop3A_861, %parallel_loop3A_862 : vector<16xi32>
        %parallel_loop3A_864 = arith.index_cast %parallel_loop3A_858 : i32 to index
        %parallel_loop3A_865 = arith.constant 0 : index
        %parallel_loop3A_866 = tpu.vector_load %arg7[%parallel_loop3A_864, %parallel_loop3A_865] {strides = array<i32>} : memref<128x64xf32, #tpu.memory_space<vmem>>, vector<16xf32>,
        %parallel_loop3A_867 = arith.addf %parallel_loop3A_866, %get3A_537 : vector<16xf32>
        tpu.vector_store_idx %arg9[%add3A_5, %parallel_loop3A_863], %parallel_loop3A_867 : memref<64x129xf32, #tpu.memory_space<vmem>>[vector<16xi32>, vector<16xi32>], vector<16xf32>,
        %parallel_loop3A_868 = arith.index_cast %parallel_loop3A_858 : i32 to index
        %parallel_loop3A_869 = arith.constant 16 : index
        %parallel_loop3A_870 = tpu.vector_load %arg7[%parallel_loop3A_868, %parallel_loop3A_869] {strides = array<i32>} : memref<128x64xf32, #tpu.memory_space<vmem>>, vector<16xf32>,
        %parallel_loop3A_871 = arith.addf %parallel_loop3A_870, %get3A_540 : vector<16xf32>
        tpu.vector_store_idx %arg9[%add3A_8, %parallel_loop3A_863], %parallel_loop3A_871 : memref<64x129xf32, #tpu.memory_space<vmem>>[vector<16xi32>, vector<16xi32>], vector<16xf32>,
        %parallel_loop3A_872 = arith.index_cast %parallel_loop3A_858 : i32 to index
        %parallel_loop3A_873 = arith.constant 32 : index
        %parallel_loop3A_874 = tpu.vector_load %arg7[%parallel_loop3A_872, %parallel_loop3A_873] {strides = array<i32>} : memref<128x64xf32, #tpu.memory_space<vmem>>, vector<16xf32>,
        %parallel_loop3A_875 = arith.addf %parallel_loop3A_874, %get3A_543 : vector<16xf32>
        tpu.vector_store_idx %arg9[%add3A_11, %parallel_loop3A_863], %parallel_loop3A_875 : memref<64x129xf32, #tpu.memory_space<vmem>>[vector<16xi32>, vector<16xi32>], vector<16xf32>,
        %parallel_loop3A_876 = arith.index_cast %parallel_loop3A_858 : i32 to index
        %parallel_loop3A_877 = arith.constant 48 : index
        %parallel_loop3A_878 = tpu.vector_load %arg7[%parallel_loop3A_876, %parallel_loop3A_877] {strides = array<i32>} : memref<128x64xf32, #tpu.memory_space<vmem>>, vector<16xf32>,
        %parallel_loop3A_879 = arith.addf %parallel_loop3A_878, %get3A_546 : vector<16xf32>
        tpu.vector_store_idx %arg9[%add3A_14, %parallel_loop3A_863], %parallel_loop3A_879 : memref<64x129xf32, #tpu.memory_space<vmem>>[vector<16xi32>, vector<16xi32>], vector<16xf32>,
        scf.yield %parallel_loop3A_859 : i32
      } {sc.loop_unroll_factor = 4 : i64, sc.parallel_access}
      %mul3A_551 = arith.constant 0 : i32
      %mul3A_552 = arith.muli %parallel_loop3A_550, %mul3A_551 : i32
      %add3A_553 = arith.constant 0 : i32
      %add3A_554 = arith.addi %add3A_553, %mul3A_552 : i32
      %dma_start3A_555 = arith.constant 0 : i32
      %dma_start3A_556 = arith.constant 0 : i32
      %dma_start3A_557 = tpu.memref_slice %arg9[%add3A_554, %dma_start3A_556] : memref<64x129xf32, #tpu.memory_space<vmem>> -> memref<8x128xf32, #tpu.memory_space<vmem>>
      %dma_start3A_558 = arith.constant 0 : i32
      %dma_start3A_559 = arith.constant 0 : i32
      %dma_start3A_560 = tpu.memref_slice %arg5[%select_n3A_370, %dma_start3A_555, %select_n3A_387, %dma_start3A_558, %dma_start3A_559] : memref<200x8x32x8x128xf32, #tpu.memory_space<hbm>> -> memref<1x1x1x8x128xf32, #tpu.memory_space<hbm>>
      %dma_start3A_561 = tpu.memref_squeeze %dma_start3A_560 : memref<1x1x1x8x128xf32, #tpu.memory_space<hbm>> -> memref<8x128xf32, #tpu.memory_space<hbm>>
      %dma_start3A_562 = arith.constant 0 : i32
      %dma_start3A_563 = arith.constant 0 : i32
      %dma_start3A_564 = tpu.memref_slice %arg5[%select_n3A_370, %dma_start3A_555, %select_n3A_387, %dma_start3A_562, %dma_start3A_563] : memref<200x8x32x8x128xf32, #tpu.memory_space<hbm>> -> memref<1x1x1x8x128xf32, #tpu.memory_space<hbm>>
      %dma_start3A_565 = tpu.memref_squeeze %dma_start3A_564 : memref<1x1x1x8x128xf32, #tpu.memory_space<hbm>> -> memref<8x128xf32, #tpu.memory_space<hbm>>
      %dma_start3A_566 = arith.constant 0 : i32
      %dma_start3A_567 = tpu.memref_slice %arg9[%add3A_554, %dma_start3A_566] : memref<64x129xf32, #tpu.memory_space<vmem>> -> memref<8x128xf32, #tpu.memory_space<vmem>>
      tpu.enqueue_dma source(%dma_start3A_567 : memref<8x128xf32, #tpu.memory_space<vmem>>) target(%dma_start3A_565 : memref<8x128xf32, #tpu.memory_space<hbm>>) target_semaphore(%arg14 : memref<!tpu.dma_semaphore, #tpu.memory_space<semaphore_mem>>)
      %mul3A_568 = arith.constant 0 : i32
      %mul3A_569 = arith.muli %parallel_loop3A_550, %mul3A_568 : i32
      %add3A_570 = arith.constant 8 : i32
      %add3A_571 = arith.addi %add3A_570, %mul3A_569 : i32
      %dma_start3A_572 = arith.constant 1 : i32
      %dma_start3A_573 = arith.constant 0 : i32
      %dma_start3A_574 = tpu.memref_slice %arg9[%add3A_571, %dma_start3A_573] : memref<64x129xf32, #tpu.memory_space<vmem>> -> memref<8x128xf32, #tpu.memory_space<vmem>>
      %dma_start3A_575 = arith.constant 0 : i32
      %dma_start3A_576 = arith.constant 0 : i32
      %dma_start3A_577 = tpu.memref_slice %arg5[%select_n3A_370, %dma_start3A_572, %select_n3A_387, %dma_start3A_575, %dma_start3A_576] : memref<200x8x32x8x128xf32, #tpu.memory_space<hbm>> -> memref<1x1x1x8x128xf32, #tpu.memory_space<hbm>>
      %dma_start3A_578 = tpu.memref_squeeze %dma_start3A_577 : memref<1x1x1x8x128xf32, #tpu.memory_space<hbm>> -> memref<8x128xf32, #tpu.memory_space<hbm>>
      %dma_start3A_579 = arith.constant 0 : i32
      %dma_start3A_580 = arith.constant 0 : i32
      %dma_start3A_581 = tpu.memref_slice %arg5[%select_n3A_370, %dma_start3A_572, %select_n3A_387, %dma_start3A_579, %dma_start3A_580] : memref<200x8x32x8x128xf32, #tpu.memory_space<hbm>> -> memref<1x1x1x8x128xf32, #tpu.memory_space<hbm>>
      %dma_start3A_582 = tpu.memref_squeeze %dma_start3A_581 : memref<1x1x1x8x128xf32, #tpu.memory_space<hbm>> -> memref<8x128xf32, #tpu.memory_space<hbm>>
      %dma_start3A_583 = arith.constant 0 : i32
      %dma_start3A_584 = tpu.memref_slice %arg9[%add3A_571, %dma_start3A_583] : memref<64x129xf32, #tpu.memory_space<vmem>> -> memref<8x128xf32, #tpu.memory_space<vmem>>
      tpu.enqueue_dma source(%dma_start3A_584 : memref<8x128xf32, #tpu.memory_space<vmem>>) target(%dma_start3A_582 : memref<8x128xf32, #tpu.memory_space<hbm>>) target_semaphore(%arg14 : memref<!tpu.dma_semaphore, #tpu.memory_space<semaphore_mem>>)
      %mul3A_585 = arith.constant 0 : i32
      %mul3A_586 = arith.muli %parallel_loop3A_550, %mul3A_585 : i32
      %add3A_587 = arith.constant 16 : i32
      %add3A_588 = arith.addi %add3A_587, %mul3A_586 : i32
      %dma_start3A_589 = arith.constant 2 : i32
      %dma_start3A_590 = arith.constant 0 : i32
      %dma_start3A_591 = tpu.memref_slice %arg9[%add3A_588, %dma_start3A_590] : memref<64x129xf32, #tpu.memory_space<vmem>> -> memref<8x128xf32, #tpu.memory_space<vmem>>
      %dma_start3A_592 = arith.constant 0 : i32
      %dma_start3A_593 = arith.constant 0 : i32
      %dma_start3A_594 = tpu.memref_slice %arg5[%select_n3A_370, %dma_start3A_589, %select_n3A_387, %dma_start3A_592, %dma_start3A_593] : memref<200x8x32x8x128xf32, #tpu.memory_space<hbm>> -> memref<1x1x1x8x128xf32, #tpu.memory_space<hbm>>
      %dma_start3A_595 = tpu.memref_squeeze %dma_start3A_594 : memref<1x1x1x8x128xf32, #tpu.memory_space<hbm>> -> memref<8x128xf32, #tpu.memory_space<hbm>>
      %dma_start3A_596 = arith.constant 0 : i32
      %dma_start3A_597 = arith.constant 0 : i32
      %dma_start3A_598 = tpu.memref_slice %arg5[%select_n3A_370, %dma_start3A_589, %select_n3A_387, %dma_start3A_596, %dma_start3A_597] : memref<200x8x32x8x128xf32, #tpu.memory_space<hbm>> -> memref<1x1x1x8x128xf32, #tpu.memory_space<hbm>>
      %dma_start3A_599 = tpu.memref_squeeze %dma_start3A_598 : memref<1x1x1x8x128xf32, #tpu.memory_space<hbm>> -> memref<8x128xf32, #tpu.memory_space<hbm>>
      %dma_start3A_600 = arith.constant 0 : i32
      %dma_start3A_601 = tpu.memref_slice %arg9[%add3A_588, %dma_start3A_600] : memref<64x129xf32, #tpu.memory_space<vmem>> -> memref<8x128xf32, #tpu.memory_space<vmem>>
      tpu.enqueue_dma source(%dma_start3A_601 : memref<8x128xf32, #tpu.memory_space<vmem>>) target(%dma_start3A_599 : memref<8x128xf32, #tpu.memory_space<hbm>>) target_semaphore(%arg14 : memref<!tpu.dma_semaphore, #tpu.memory_space<semaphore_mem>>)
      %mul3A_602 = arith.constant 0 : i32
      %mul3A_603 = arith.muli %parallel_loop3A_550, %mul3A_602 : i32
      %add3A_604 = arith.constant 24 : i32
      %add3A_605 = arith.addi %add3A_604, %mul3A_603 : i32
      %dma_start3A_606 = arith.constant 3 : i32
      %dma_start3A_607 = arith.constant 0 : i32
      %dma_start3A_608 = tpu.memref_slice %arg9[%add3A_605, %dma_start3A_607] : memref<64x129xf32, #tpu.memory_space<vmem>> -> memref<8x128xf32, #tpu.memory_space<vmem>>
      %dma_start3A_609 = arith.constant 0 : i32
      %dma_start3A_610 = arith.constant 0 : i32
      %dma_start3A_611 = tpu.memref_slice %arg5[%select_n3A_370, %dma_start3A_606, %select_n3A_387, %dma_start3A_609, %dma_start3A_610] : memref<200x8x32x8x128xf32, #tpu.memory_space<hbm>> -> memref<1x1x1x8x128xf32, #tpu.memory_space<hbm>>
      %dma_start3A_612 = tpu.memref_squeeze %dma_start3A_611 : memref<1x1x1x8x128xf32, #tpu.memory_space<hbm>> -> memref<8x128xf32, #tpu.memory_space<hbm>>
      %dma_start3A_613 = arith.constant 0 : i32
      %dma_start3A_614 = arith.constant 0 : i32
      %dma_start3A_615 = tpu.memref_slice %arg5[%select_n3A_370, %dma_start3A_606, %select_n3A_387, %dma_start3A_613, %dma_start3A_614] : memref<200x8x32x8x128xf32, #tpu.memory_space<hbm>> -> memref<1x1x1x8x128xf32, #tpu.memory_space<hbm>>
      %dma_start3A_616 = tpu.memref_squeeze %dma_start3A_615 : memref<1x1x1x8x128xf32, #tpu.memory_space<hbm>> -> memref<8x128xf32, #tpu.memory_space<hbm>>
      %dma_start3A_617 = arith.constant 0 : i32
      %dma_start3A_618 = tpu.memref_slice %arg9[%add3A_605, %dma_start3A_617] : memref<64x129xf32, #tpu.memory_space<vmem>> -> memref<8x128xf32, #tpu.memory_space<vmem>>
      tpu.enqueue_dma source(%dma_start3A_618 : memref<8x128xf32, #tpu.memory_space<vmem>>) target(%dma_start3A_616 : memref<8x128xf32, #tpu.memory_space<hbm>>) target_semaphore(%arg14 : memref<!tpu.dma_semaphore, #tpu.memory_space<semaphore_mem>>)
      %mul3A_619 = arith.constant 0 : i32
      %mul3A_620 = arith.muli %parallel_loop3A_550, %mul3A_619 : i32
      %add3A_621 = arith.constant 32 : i32
      %add3A_622 = arith.addi %add3A_621, %mul3A_620 : i32
      %dma_start3A_623 = arith.constant 4 : i32
      %dma_start3A_624 = arith.constant 0 : i32
      %dma_start3A_625 = tpu.memref_slice %arg9[%add3A_622, %dma_start3A_624] : memref<64x129xf32, #tpu.memory_space<vmem>> -> memref<8x128xf32, #tpu.memory_space<vmem>>
      %dma_start3A_626 = arith.constant 0 : i32
      %dma_start3A_627 = arith.constant 0 : i32
      %dma_start3A_628 = tpu.memref_slice %arg5[%select_n3A_370, %dma_start3A_623, %select_n3A_387, %dma_start3A_626, %dma_start3A_627] : memref<200x8x32x8x128xf32, #tpu.memory_space<hbm>> -> memref<1x1x1x8x128xf32, #tpu.memory_space<hbm>>
      %dma_start3A_629 = tpu.memref_squeeze %dma_start3A_628 : memref<1x1x1x8x128xf32, #tpu.memory_space<hbm>> -> memref<8x128xf32, #tpu.memory_space<hbm>>
      %dma_start3A_630 = arith.constant 0 : i32
      %dma_start3A_631 = arith.constant 0 : i32
      %dma_start3A_632 = tpu.memref_slice %arg5[%select_n3A_370, %dma_start3A_623, %select_n3A_387, %dma_start3A_630, %dma_start3A_631] : memref<200x8x32x8x128xf32, #tpu.memory_space<hbm>> -> memref<1x1x1x8x128xf32, #tpu.memory_space<hbm>>
      %dma_start3A_633 = tpu.memref_squeeze %dma_start3A_632 : memref<1x1x1x8x128xf32, #tpu.memory_space<hbm>> -> memref<8x128xf32, #tpu.memory_space<hbm>>
      %dma_start3A_634 = arith.constant 0 : i32
      %dma_start3A_635 = tpu.memref_slice %arg9[%add3A_622, %dma_start3A_634] : memref<64x129xf32, #tpu.memory_space<vmem>> -> memref<8x128xf32, #tpu.memory_space<vmem>>
      tpu.enqueue_dma source(%dma_start3A_635 : memref<8x128xf32, #tpu.memory_space<vmem>>) target(%dma_start3A_633 : memref<8x128xf32, #tpu.memory_space<hbm>>) target_semaphore(%arg14 : memref<!tpu.dma_semaphore, #tpu.memory_space<semaphore_mem>>)
      %mul3A_636 = arith.constant 0 : i32
      %mul3A_637 = arith.muli %parallel_loop3A_550, %mul3A_636 : i32
      %add3A_638 = arith.constant 40 : i32
      %add3A_639 = arith.addi %add3A_638, %mul3A_637 : i32
      %dma_start3A_640 = arith.constant 5 : i32
      %dma_start3A_641 = arith.constant 0 : i32
      %dma_start3A_642 = tpu.memref_slice %arg9[%add3A_639, %dma_start3A_641] : memref<64x129xf32, #tpu.memory_space<vmem>> -> memref<8x128xf32, #tpu.memory_space<vmem>>
      %dma_start3A_643 = arith.constant 0 : i32
      %dma_start3A_644 = arith.constant 0 : i32
      %dma_start3A_645 = tpu.memref_slice %arg5[%select_n3A_370, %dma_start3A_640, %select_n3A_387, %dma_start3A_643, %dma_start3A_644] : memref<200x8x32x8x128xf32, #tpu.memory_space<hbm>> -> memref<1x1x1x8x128xf32, #tpu.memory_space<hbm>>
      %dma_start3A_646 = tpu.memref_squeeze %dma_start3A_645 : memref<1x1x1x8x128xf32, #tpu.memory_space<hbm>> -> memref<8x128xf32, #tpu.memory_space<hbm>>
      %dma_start3A_647 = arith.constant 0 : i32
      %dma_start3A_648 = arith.constant 0 : i32
      %dma_start3A_649 = tpu.memref_slice %arg5[%select_n3A_370, %dma_start3A_640, %select_n3A_387, %dma_start3A_647, %dma_start3A_648] : memref<200x8x32x8x128xf32, #tpu.memory_space<hbm>> -> memref<1x1x1x8x128xf32, #tpu.memory_space<hbm>>
      %dma_start3A_650 = tpu.memref_squeeze %dma_start3A_649 : memref<1x1x1x8x128xf32, #tpu.memory_space<hbm>> -> memref<8x128xf32, #tpu.memory_space<hbm>>
      %dma_start3A_651 = arith.constant 0 : i32
      %dma_start3A_652 = tpu.memref_slice %arg9[%add3A_639, %dma_start3A_651] : memref<64x129xf32, #tpu.memory_space<vmem>> -> memref<8x128xf32, #tpu.memory_space<vmem>>
      tpu.enqueue_dma source(%dma_start3A_652 : memref<8x128xf32, #tpu.memory_space<vmem>>) target(%dma_start3A_650 : memref<8x128xf32, #tpu.memory_space<hbm>>) target_semaphore(%arg14 : memref<!tpu.dma_semaphore, #tpu.memory_space<semaphore_mem>>)
      %mul3A_653 = arith.constant 0 : i32
      %mul3A_654 = arith.muli %parallel_loop3A_550, %mul3A_653 : i32
      %add3A_655 = arith.constant 48 : i32
      %add3A_656 = arith.addi %add3A_655, %mul3A_654 : i32
      %dma_start3A_657 = arith.constant 6 : i32
      %dma_start3A_658 = arith.constant 0 : i32
      %dma_start3A_659 = tpu.memref_slice %arg9[%add3A_656, %dma_start3A_658] : memref<64x129xf32, #tpu.memory_space<vmem>> -> memref<8x128xf32, #tpu.memory_space<vmem>>
      %dma_start3A_660 = arith.constant 0 : i32
      %dma_start3A_661 = arith.constant 0 : i32
      %dma_start3A_662 = tpu.memref_slice %arg5[%select_n3A_370, %dma_start3A_657, %select_n3A_387, %dma_start3A_660, %dma_start3A_661] : memref<200x8x32x8x128xf32, #tpu.memory_space<hbm>> -> memref<1x1x1x8x128xf32, #tpu.memory_space<hbm>>
      %dma_start3A_663 = tpu.memref_squeeze %dma_start3A_662 : memref<1x1x1x8x128xf32, #tpu.memory_space<hbm>> -> memref<8x128xf32, #tpu.memory_space<hbm>>
      %dma_start3A_664 = arith.constant 0 : i32
      %dma_start3A_665 = arith.constant 0 : i32
      %dma_start3A_666 = tpu.memref_slice %arg5[%select_n3A_370, %dma_start3A_657, %select_n3A_387, %dma_start3A_664, %dma_start3A_665] : memref<200x8x32x8x128xf32, #tpu.memory_space<hbm>> -> memref<1x1x1x8x128xf32, #tpu.memory_space<hbm>>
      %dma_start3A_667 = tpu.memref_squeeze %dma_start3A_666 : memref<1x1x1x8x128xf32, #tpu.memory_space<hbm>> -> memref<8x128xf32, #tpu.memory_space<hbm>>
      %dma_start3A_668 = arith.constant 0 : i32
      %dma_start3A_669 = tpu.memref_slice %arg9[%add3A_656, %dma_start3A_668] : memref<64x129xf32, #tpu.memory_space<vmem>> -> memref<8x128xf32, #tpu.memory_space<vmem>>
      tpu.enqueue_dma source(%dma_start3A_669 : memref<8x128xf32, #tpu.memory_space<vmem>>) target(%dma_start3A_667 : memref<8x128xf32, #tpu.memory_space<hbm>>) target_semaphore(%arg14 : memref<!tpu.dma_semaphore, #tpu.memory_space<semaphore_mem>>)
      %mul3A_670 = arith.constant 0 : i32
      %mul3A_671 = arith.muli %parallel_loop3A_550, %mul3A_670 : i32
      %add3A_672 = arith.constant 56 : i32
      %add3A_673 = arith.addi %add3A_672, %mul3A_671 : i32
      %dma_start3A_674 = arith.constant 7 : i32
      %dma_start3A_675 = arith.constant 0 : i32
      %dma_start3A_676 = tpu.memref_slice %arg9[%add3A_673, %dma_start3A_675] : memref<64x129xf32, #tpu.memory_space<vmem>> -> memref<8x128xf32, #tpu.memory_space<vmem>>
      %dma_start3A_677 = arith.constant 0 : i32
      %dma_start3A_678 = arith.constant 0 : i32
      %dma_start3A_679 = tpu.memref_slice %arg5[%select_n3A_370, %dma_start3A_674, %select_n3A_387, %dma_start3A_677, %dma_start3A_678] : memref<200x8x32x8x128xf32, #tpu.memory_space<hbm>> -> memref<1x1x1x8x128xf32, #tpu.memory_space<hbm>>
      %dma_start3A_680 = tpu.memref_squeeze %dma_start3A_679 : memref<1x1x1x8x128xf32, #tpu.memory_space<hbm>> -> memref<8x128xf32, #tpu.memory_space<hbm>>
      %dma_start3A_681 = arith.constant 0 : i32
      %dma_start3A_682 = arith.constant 0 : i32
      %dma_start3A_683 = tpu.memref_slice %arg5[%select_n3A_370, %dma_start3A_674, %select_n3A_387, %dma_start3A_681, %dma_start3A_682] : memref<200x8x32x8x128xf32, #tpu.memory_space<hbm>> -> memref<1x1x1x8x128xf32, #tpu.memory_space<hbm>>
      %dma_start3A_684 = tpu.memref_squeeze %dma_start3A_683 : memref<1x1x1x8x128xf32, #tpu.memory_space<hbm>> -> memref<8x128xf32, #tpu.memory_space<hbm>>
      %dma_start3A_685 = arith.constant 0 : i32
      %dma_start3A_686 = tpu.memref_slice %arg9[%add3A_673, %dma_start3A_685] : memref<64x129xf32, #tpu.memory_space<vmem>> -> memref<8x128xf32, #tpu.memory_space<vmem>>
      tpu.enqueue_dma source(%dma_start3A_686 : memref<8x128xf32, #tpu.memory_space<vmem>>) target(%dma_start3A_684 : memref<8x128xf32, #tpu.memory_space<hbm>>) target_semaphore(%arg14 : memref<!tpu.dma_semaphore, #tpu.memory_space<semaphore_mem>>)
      %lt3A_687 = arith.constant 99 : i32
      %lt3A_688 = arith.cmpi slt, %scan3A_343, %lt3A_687 : i32
      %convert_element_type3A_689 = arith.extui %lt3A_688 : i1 to i32
      %cond3A_690 = arith.constant 0 : i32
      %cond3A_691 = arith.cmpi ne, %convert_element_type3A_689, %cond3A_690 : i32
      scf.if %cond3A_691 {
        %add3A_858 = arith.constant 2 : i32
        %add3A_859 = arith.addi %mul3A_345, %add3A_858 : i32
        %dma_start3A_860 = arith.constant 0 : i32
        %dma_start3A_861 = tpu.memref_slice %arg6[%add3A_859, %dma_start3A_860] : memref<200x128xi32, #tpu.memory_space<vmem>> -> memref<1x128xi32, #tpu.memory_space<vmem>>
        %dma_start3A_862 = tpu.memref_squeeze %dma_start3A_861 : memref<1x128xi32, #tpu.memory_space<vmem>> -> memref<128xi32, #tpu.memory_space<vmem>>
        %dma_start3A_863 = arith.constant 0 : i32
        %dma_start3A_864 = arith.constant 0 : i32
        %dma_start3A_865 = tpu.memref_slice %arg3[%dma_start3A_863, %dma_start3A_864] : memref<1000000x64xf32, #tpu.memory_space<hbm>> -> memref<1000000x64xf32, #tpu.memory_space<hbm>>
        tpu.enqueue_indirect_dma source(%dma_start3A_865 : memref<1000000x64xf32, #tpu.memory_space<hbm>>) target(%arg7 : memref<128x64xf32, #tpu.memory_space<vmem>>) offsets(%dma_start3A_862 : memref<128xi32, #tpu.memory_space<vmem>>) semaphore(%arg12 : memref<!tpu.dma_semaphore, #tpu.memory_space<semaphore_mem>>)
      } else {
      }
      %add3A_692 = arith.constant 1 : i32
      %add3A_693 = arith.addi %mul3A_345, %add3A_692 : i32
      %dma_wait3A_694 = arith.constant 0 : i32
      %dma_wait3A_695 = tpu.memref_slice %arg6[%add3A_693, %dma_wait3A_694] : memref<200x128xi32, #tpu.memory_space<vmem>> -> memref<1x128xi32, #tpu.memory_space<vmem>>
      %dma_wait3A_696 = tpu.memref_squeeze %dma_wait3A_695 : memref<1x128xi32, #tpu.memory_space<vmem>> -> memref<128xi32, #tpu.memory_space<vmem>>
      %dma_wait3A_697 = arith.constant 0 : i32
      %dma_wait3A_698 = arith.constant 0 : i32
      %dma_wait3A_699 = tpu.memref_slice %arg3[%dma_wait3A_697, %dma_wait3A_698] : memref<1000000x64xf32, #tpu.memory_space<hbm>> -> memref<1000000x64xf32, #tpu.memory_space<hbm>>
      tpu.wait_indirect_dma semaphore(%arg13 : memref<!tpu.dma_semaphore, #tpu.memory_space<semaphore_mem>>) src(%dma_wait3A_699 : memref<1000000x64xf32, #tpu.memory_space<hbm>>) dst(%arg8 : memref<128x64xf32, #tpu.memory_space<vmem>>)
      %gt3A_700 = arith.constant 0 : i32
      %gt3A_701 = arith.cmpi sgt, %scan3A_343, %gt3A_700 : i32
      %convert_element_type3A_702 = arith.extui %gt3A_701 : i1 to i32
      %cond3A_703 = arith.constant 0 : i32
      %cond3A_704 = arith.cmpi ne, %convert_element_type3A_702, %cond3A_703 : i32
      scf.if %cond3A_704 {
        %dma_wait3A_858 = arith.constant 0 : i32
        %dma_wait3A_859 = arith.constant 0 : i32
        %dma_wait3A_860 = arith.constant 0 : i32
        %dma_wait3A_861 = tpu.memref_slice %arg10[%dma_wait3A_859, %dma_wait3A_860] : memref<64x129xf32, #tpu.memory_space<vmem>> -> memref<8x128xf32, #tpu.memory_space<vmem>>
        %dma_wait3A_862 = arith.constant 0 : i32
        %dma_wait3A_863 = arith.constant 0 : i32
        %dma_wait3A_864 = tpu.memref_slice %arg5[%select_n3A_458, %dma_wait3A_858, %select_n3A_475, %dma_wait3A_862, %dma_wait3A_863] : memref<200x8x32x8x128xf32, #tpu.memory_space<hbm>> -> memref<1x1x1x8x128xf32, #tpu.memory_space<hbm>>
        %dma_wait3A_865 = tpu.memref_squeeze %dma_wait3A_864 : memref<1x1x1x8x128xf32, #tpu.memory_space<hbm>> -> memref<8x128xf32, #tpu.memory_space<hbm>>
        %dma_wait3A_866 = arith.constant 0 : i32
        %dma_wait3A_867 = arith.constant 0 : i32
        %dma_wait3A_868 = tpu.memref_slice %arg5[%select_n3A_458, %dma_wait3A_858, %select_n3A_475, %dma_wait3A_866, %dma_wait3A_867] : memref<200x8x32x8x128xf32, #tpu.memory_space<hbm>> -> memref<1x1x1x8x128xf32, #tpu.memory_space<hbm>>
        %dma_wait3A_869 = tpu.memref_squeeze %dma_wait3A_868 : memref<1x1x1x8x128xf32, #tpu.memory_space<hbm>> -> memref<8x128xf32, #tpu.memory_space<hbm>>
        %dma_wait3A_870 = arith.constant 0 : i32
        %dma_wait3A_871 = arith.constant 0 : i32
        %dma_wait3A_872 = tpu.memref_slice %arg10[%dma_wait3A_870, %dma_wait3A_871] : memref<64x129xf32, #tpu.memory_space<vmem>> -> memref<8x128xf32, #tpu.memory_space<vmem>>
        tpu.wait_dma2 semaphore(%arg15 : memref<!tpu.dma_semaphore, #tpu.memory_space<semaphore_mem>>) src(%dma_wait3A_872 : memref<8x128xf32, #tpu.memory_space<vmem>>) dst(%dma_wait3A_869 : memref<8x128xf32, #tpu.memory_space<hbm>>)
        %dma_wait3A_873 = arith.constant 1 : i32
        %dma_wait3A_874 = arith.constant 8 : i32
        %dma_wait3A_875 = arith.constant 0 : i32
        %dma_wait3A_876 = tpu.memref_slice %arg10[%dma_wait3A_874, %dma_wait3A_875] : memref<64x129xf32, #tpu.memory_space<vmem>> -> memref<8x128xf32, #tpu.memory_space<vmem>>
        %dma_wait3A_877 = arith.constant 0 : i32
        %dma_wait3A_878 = arith.constant 0 : i32
        %dma_wait3A_879 = tpu.memref_slice %arg5[%select_n3A_458, %dma_wait3A_873, %select_n3A_475, %dma_wait3A_877, %dma_wait3A_878] : memref<200x8x32x8x128xf32, #tpu.memory_space<hbm>> -> memref<1x1x1x8x128xf32, #tpu.memory_space<hbm>>
        %dma_wait3A_880 = tpu.memref_squeeze %dma_wait3A_879 : memref<1x1x1x8x128xf32, #tpu.memory_space<hbm>> -> memref<8x128xf32, #tpu.memory_space<hbm>>
        %dma_wait3A_881 = arith.constant 0 : i32
        %dma_wait3A_882 = arith.constant 0 : i32
        %dma_wait3A_883 = tpu.memref_slice %arg5[%select_n3A_458, %dma_wait3A_873, %select_n3A_475, %dma_wait3A_881, %dma_wait3A_882] : memref<200x8x32x8x128xf32, #tpu.memory_space<hbm>> -> memref<1x1x1x8x128xf32, #tpu.memory_space<hbm>>
        %dma_wait3A_884 = tpu.memref_squeeze %dma_wait3A_883 : memref<1x1x1x8x128xf32, #tpu.memory_space<hbm>> -> memref<8x128xf32, #tpu.memory_space<hbm>>
        %dma_wait3A_885 = arith.constant 8 : i32
        %dma_wait3A_886 = arith.constant 0 : i32
        %dma_wait3A_887 = tpu.memref_slice %arg10[%dma_wait3A_885, %dma_wait3A_886] : memref<64x129xf32, #tpu.memory_space<vmem>> -> memref<8x128xf32, #tpu.memory_space<vmem>>
        tpu.wait_dma2 semaphore(%arg15 : memref<!tpu.dma_semaphore, #tpu.memory_space<semaphore_mem>>) src(%dma_wait3A_887 : memref<8x128xf32, #tpu.memory_space<vmem>>) dst(%dma_wait3A_884 : memref<8x128xf32, #tpu.memory_space<hbm>>)
        %dma_wait3A_888 = arith.constant 2 : i32
        %dma_wait3A_889 = arith.constant 16 : i32
        %dma_wait3A_890 = arith.constant 0 : i32
        %dma_wait3A_891 = tpu.memref_slice %arg10[%dma_wait3A_889, %dma_wait3A_890] : memref<64x129xf32, #tpu.memory_space<vmem>> -> memref<8x128xf32, #tpu.memory_space<vmem>>
        %dma_wait3A_892 = arith.constant 0 : i32
        %dma_wait3A_893 = arith.constant 0 : i32
        %dma_wait3A_894 = tpu.memref_slice %arg5[%select_n3A_458, %dma_wait3A_888, %select_n3A_475, %dma_wait3A_892, %dma_wait3A_893] : memref<200x8x32x8x128xf32, #tpu.memory_space<hbm>> -> memref<1x1x1x8x128xf32, #tpu.memory_space<hbm>>
        %dma_wait3A_895 = tpu.memref_squeeze %dma_wait3A_894 : memref<1x1x1x8x128xf32, #tpu.memory_space<hbm>> -> memref<8x128xf32, #tpu.memory_space<hbm>>
        %dma_wait3A_896 = arith.constant 0 : i32
        %dma_wait3A_897 = arith.constant 0 : i32
        %dma_wait3A_898 = tpu.memref_slice %arg5[%select_n3A_458, %dma_wait3A_888, %select_n3A_475, %dma_wait3A_896, %dma_wait3A_897] : memref<200x8x32x8x128xf32, #tpu.memory_space<hbm>> -> memref<1x1x1x8x128xf32, #tpu.memory_space<hbm>>
        %dma_wait3A_899 = tpu.memref_squeeze %dma_wait3A_898 : memref<1x1x1x8x128xf32, #tpu.memory_space<hbm>> -> memref<8x128xf32, #tpu.memory_space<hbm>>
        %dma_wait3A_900 = arith.constant 16 : i32
        %dma_wait3A_901 = arith.constant 0 : i32
        %dma_wait3A_902 = tpu.memref_slice %arg10[%dma_wait3A_900, %dma_wait3A_901] : memref<64x129xf32, #tpu.memory_space<vmem>> -> memref<8x128xf32, #tpu.memory_space<vmem>>
        tpu.wait_dma2 semaphore(%arg15 : memref<!tpu.dma_semaphore, #tpu.memory_space<semaphore_mem>>) src(%dma_wait3A_902 : memref<8x128xf32, #tpu.memory_space<vmem>>) dst(%dma_wait3A_899 : memref<8x128xf32, #tpu.memory_space<hbm>>)
        %dma_wait3A_903 = arith.constant 3 : i32
        %dma_wait3A_904 = arith.constant 24 : i32
        %dma_wait3A_905 = arith.constant 0 : i32
        %dma_wait3A_906 = tpu.memref_slice %arg10[%dma_wait3A_904, %dma_wait3A_905] : memref<64x129xf32, #tpu.memory_space<vmem>> -> memref<8x128xf32, #tpu.memory_space<vmem>>
        %dma_wait3A_907 = arith.constant 0 : i32
        %dma_wait3A_908 = arith.constant 0 : i32
        %dma_wait3A_909 = tpu.memref_slice %arg5[%select_n3A_458, %dma_wait3A_903, %select_n3A_475, %dma_wait3A_907, %dma_wait3A_908] : memref<200x8x32x8x128xf32, #tpu.memory_space<hbm>> -> memref<1x1x1x8x128xf32, #tpu.memory_space<hbm>>
        %dma_wait3A_910 = tpu.memref_squeeze %dma_wait3A_909 : memref<1x1x1x8x128xf32, #tpu.memory_space<hbm>> -> memref<8x128xf32, #tpu.memory_space<hbm>>
        %dma_wait3A_911 = arith.constant 0 : i32
        %dma_wait3A_912 = arith.constant 0 : i32
        %dma_wait3A_913 = tpu.memref_slice %arg5[%select_n3A_458, %dma_wait3A_903, %select_n3A_475, %dma_wait3A_911, %dma_wait3A_912] : memref<200x8x32x8x128xf32, #tpu.memory_space<hbm>> -> memref<1x1x1x8x128xf32, #tpu.memory_space<hbm>>
        %dma_wait3A_914 = tpu.memref_squeeze %dma_wait3A_913 : memref<1x1x1x8x128xf32, #tpu.memory_space<hbm>> -> memref<8x128xf32, #tpu.memory_space<hbm>>
        %dma_wait3A_915 = arith.constant 24 : i32
        %dma_wait3A_916 = arith.constant 0 : i32
        %dma_wait3A_917 = tpu.memref_slice %arg10[%dma_wait3A_915, %dma_wait3A_916] : memref<64x129xf32, #tpu.memory_space<vmem>> -> memref<8x128xf32, #tpu.memory_space<vmem>>
        tpu.wait_dma2 semaphore(%arg15 : memref<!tpu.dma_semaphore, #tpu.memory_space<semaphore_mem>>) src(%dma_wait3A_917 : memref<8x128xf32, #tpu.memory_space<vmem>>) dst(%dma_wait3A_914 : memref<8x128xf32, #tpu.memory_space<hbm>>)
        %dma_wait3A_918 = arith.constant 4 : i32
        %dma_wait3A_919 = arith.constant 32 : i32
        %dma_wait3A_920 = arith.constant 0 : i32
        %dma_wait3A_921 = tpu.memref_slice %arg10[%dma_wait3A_919, %dma_wait3A_920] : memref<64x129xf32, #tpu.memory_space<vmem>> -> memref<8x128xf32, #tpu.memory_space<vmem>>
        %dma_wait3A_922 = arith.constant 0 : i32
        %dma_wait3A_923 = arith.constant 0 : i32
        %dma_wait3A_924 = tpu.memref_slice %arg5[%select_n3A_458, %dma_wait3A_918, %select_n3A_475, %dma_wait3A_922, %dma_wait3A_923] : memref<200x8x32x8x128xf32, #tpu.memory_space<hbm>> -> memref<1x1x1x8x128xf32, #tpu.memory_space<hbm>>
        %dma_wait3A_925 = tpu.memref_squeeze %dma_wait3A_924 : memref<1x1x1x8x128xf32, #tpu.memory_space<hbm>> -> memref<8x128xf32, #tpu.memory_space<hbm>>
        %dma_wait3A_926 = arith.constant 0 : i32
        %dma_wait3A_927 = arith.constant 0 : i32
        %dma_wait3A_928 = tpu.memref_slice %arg5[%select_n3A_458, %dma_wait3A_918, %select_n3A_475, %dma_wait3A_926, %dma_wait3A_927] : memref<200x8x32x8x128xf32, #tpu.memory_space<hbm>> -> memref<1x1x1x8x128xf32, #tpu.memory_space<hbm>>
        %dma_wait3A_929 = tpu.memref_squeeze %dma_wait3A_928 : memref<1x1x1x8x128xf32, #tpu.memory_space<hbm>> -> memref<8x128xf32, #tpu.memory_space<hbm>>
        %dma_wait3A_930 = arith.constant 32 : i32
        %dma_wait3A_931 = arith.constant 0 : i32
        %dma_wait3A_932 = tpu.memref_slice %arg10[%dma_wait3A_930, %dma_wait3A_931] : memref<64x129xf32, #tpu.memory_space<vmem>> -> memref<8x128xf32, #tpu.memory_space<vmem>>
        tpu.wait_dma2 semaphore(%arg15 : memref<!tpu.dma_semaphore, #tpu.memory_space<semaphore_mem>>) src(%dma_wait3A_932 : memref<8x128xf32, #tpu.memory_space<vmem>>) dst(%dma_wait3A_929 : memref<8x128xf32, #tpu.memory_space<hbm>>)
        %dma_wait3A_933 = arith.constant 5 : i32
        %dma_wait3A_934 = arith.constant 40 : i32
        %dma_wait3A_935 = arith.constant 0 : i32
        %dma_wait3A_936 = tpu.memref_slice %arg10[%dma_wait3A_934, %dma_wait3A_935] : memref<64x129xf32, #tpu.memory_space<vmem>> -> memref<8x128xf32, #tpu.memory_space<vmem>>
        %dma_wait3A_937 = arith.constant 0 : i32
        %dma_wait3A_938 = arith.constant 0 : i32
        %dma_wait3A_939 = tpu.memref_slice %arg5[%select_n3A_458, %dma_wait3A_933, %select_n3A_475, %dma_wait3A_937, %dma_wait3A_938] : memref<200x8x32x8x128xf32, #tpu.memory_space<hbm>> -> memref<1x1x1x8x128xf32, #tpu.memory_space<hbm>>
        %dma_wait3A_940 = tpu.memref_squeeze %dma_wait3A_939 : memref<1x1x1x8x128xf32, #tpu.memory_space<hbm>> -> memref<8x128xf32, #tpu.memory_space<hbm>>
        %dma_wait3A_941 = arith.constant 0 : i32
        %dma_wait3A_942 = arith.constant 0 : i32
        %dma_wait3A_943 = tpu.memref_slice %arg5[%select_n3A_458, %dma_wait3A_933, %select_n3A_475, %dma_wait3A_941, %dma_wait3A_942] : memref<200x8x32x8x128xf32, #tpu.memory_space<hbm>> -> memref<1x1x1x8x128xf32, #tpu.memory_space<hbm>>
        %dma_wait3A_944 = tpu.memref_squeeze %dma_wait3A_943 : memref<1x1x1x8x128xf32, #tpu.memory_space<hbm>> -> memref<8x128xf32, #tpu.memory_space<hbm>>
        %dma_wait3A_945 = arith.constant 40 : i32
        %dma_wait3A_946 = arith.constant 0 : i32
        %dma_wait3A_947 = tpu.memref_slice %arg10[%dma_wait3A_945, %dma_wait3A_946] : memref<64x129xf32, #tpu.memory_space<vmem>> -> memref<8x128xf32, #tpu.memory_space<vmem>>
        tpu.wait_dma2 semaphore(%arg15 : memref<!tpu.dma_semaphore, #tpu.memory_space<semaphore_mem>>) src(%dma_wait3A_947 : memref<8x128xf32, #tpu.memory_space<vmem>>) dst(%dma_wait3A_944 : memref<8x128xf32, #tpu.memory_space<hbm>>)
        %dma_wait3A_948 = arith.constant 6 : i32
        %dma_wait3A_949 = arith.constant 48 : i32
        %dma_wait3A_950 = arith.constant 0 : i32
        %dma_wait3A_951 = tpu.memref_slice %arg10[%dma_wait3A_949, %dma_wait3A_950] : memref<64x129xf32, #tpu.memory_space<vmem>> -> memref<8x128xf32, #tpu.memory_space<vmem>>
        %dma_wait3A_952 = arith.constant 0 : i32
        %dma_wait3A_953 = arith.constant 0 : i32
        %dma_wait3A_954 = tpu.memref_slice %arg5[%select_n3A_458, %dma_wait3A_948, %select_n3A_475, %dma_wait3A_952, %dma_wait3A_953] : memref<200x8x32x8x128xf32, #tpu.memory_space<hbm>> -> memref<1x1x1x8x128xf32, #tpu.memory_space<hbm>>
        %dma_wait3A_955 = tpu.memref_squeeze %dma_wait3A_954 : memref<1x1x1x8x128xf32, #tpu.memory_space<hbm>> -> memref<8x128xf32, #tpu.memory_space<hbm>>
        %dma_wait3A_956 = arith.constant 0 : i32
        %dma_wait3A_957 = arith.constant 0 : i32
        %dma_wait3A_958 = tpu.memref_slice %arg5[%select_n3A_458, %dma_wait3A_948, %select_n3A_475, %dma_wait3A_956, %dma_wait3A_957] : memref<200x8x32x8x128xf32, #tpu.memory_space<hbm>> -> memref<1x1x1x8x128xf32, #tpu.memory_space<hbm>>
        %dma_wait3A_959 = tpu.memref_squeeze %dma_wait3A_958 : memref<1x1x1x8x128xf32, #tpu.memory_space<hbm>> -> memref<8x128xf32, #tpu.memory_space<hbm>>
        %dma_wait3A_960 = arith.constant 48 : i32
        %dma_wait3A_961 = arith.constant 0 : i32
        %dma_wait3A_962 = tpu.memref_slice %arg10[%dma_wait3A_960, %dma_wait3A_961] : memref<64x129xf32, #tpu.memory_space<vmem>> -> memref<8x128xf32, #tpu.memory_space<vmem>>
        tpu.wait_dma2 semaphore(%arg15 : memref<!tpu.dma_semaphore, #tpu.memory_space<semaphore_mem>>) src(%dma_wait3A_962 : memref<8x128xf32, #tpu.memory_space<vmem>>) dst(%dma_wait3A_959 : memref<8x128xf32, #tpu.memory_space<hbm>>)
        %dma_wait3A_963 = arith.constant 7 : i32
        %dma_wait3A_964 = arith.constant 56 : i32
        %dma_wait3A_965 = arith.constant 0 : i32
        %dma_wait3A_966 = tpu.memref_slice %arg10[%dma_wait3A_964, %dma_wait3A_965] : memref<64x129xf32, #tpu.memory_space<vmem>> -> memref<8x128xf32, #tpu.memory_space<vmem>>
        %dma_wait3A_967 = arith.constant 0 : i32
        %dma_wait3A_968 = arith.constant 0 : i32
        %dma_wait3A_969 = tpu.memref_slice %arg5[%select_n3A_458, %dma_wait3A_963, %select_n3A_475, %dma_wait3A_967, %dma_wait3A_968] : memref<200x8x32x8x128xf32, #tpu.memory_space<hbm>> -> memref<1x1x1x8x128xf32, #tpu.memory_space<hbm>>
        %dma_wait3A_970 = tpu.memref_squeeze %dma_wait3A_969 : memref<1x1x1x8x128xf32, #tpu.memory_space<hbm>> -> memref<8x128xf32, #tpu.memory_space<hbm>>
        %dma_wait3A_971 = arith.constant 0 : i32
        %dma_wait3A_972 = arith.constant 0 : i32
        %dma_wait3A_973 = tpu.memref_slice %arg5[%select_n3A_458, %dma_wait3A_963, %select_n3A_475, %dma_wait3A_971, %dma_wait3A_972] : memref<200x8x32x8x128xf32, #tpu.memory_space<hbm>> -> memref<1x1x1x8x128xf32, #tpu.memory_space<hbm>>
        %dma_wait3A_974 = tpu.memref_squeeze %dma_wait3A_973 : memref<1x1x1x8x128xf32, #tpu.memory_space<hbm>> -> memref<8x128xf32, #tpu.memory_space<hbm>>
        %dma_wait3A_975 = arith.constant 56 : i32
        %dma_wait3A_976 = arith.constant 0 : i32
        %dma_wait3A_977 = tpu.memref_slice %arg10[%dma_wait3A_975, %dma_wait3A_976] : memref<64x129xf32, #tpu.memory_space<vmem>> -> memref<8x128xf32, #tpu.memory_space<vmem>>
        tpu.wait_dma2 semaphore(%arg15 : memref<!tpu.dma_semaphore, #tpu.memory_space<semaphore_mem>>) src(%dma_wait3A_977 : memref<8x128xf32, #tpu.memory_space<vmem>>) dst(%dma_wait3A_974 : memref<8x128xf32, #tpu.memory_space<hbm>>)
      } else {
      }
      %get3A_705 = arith.index_cast %select_n3A_414 : i32 to index
      %get3A_706 = arith.constant 0 : index
      %get3A_707 = tpu.vector_load %arg11[%get3A_705, %get3A_706] {strides = array<i32>} : memref<200x64xf32, #tpu.memory_space<vmem>>, vector<16xf32>,
      %get3A_708 = arith.index_cast %select_n3A_414 : i32 to index
      %get3A_709 = arith.constant 16 : index
      %get3A_710 = tpu.vector_load %arg11[%get3A_708, %get3A_709] {strides = array<i32>} : memref<200x64xf32, #tpu.memory_space<vmem>>, vector<16xf32>,
      %get3A_711 = arith.index_cast %select_n3A_414 : i32 to index
      %get3A_712 = arith.constant 32 : index
      %get3A_713 = tpu.vector_load %arg11[%get3A_711, %get3A_712] {strides = array<i32>} : memref<200x64xf32, #tpu.memory_space<vmem>>, vector<16xf32>,
      %get3A_714 = arith.index_cast %select_n3A_414 : i32 to index
      %get3A_715 = arith.constant 48 : index
      %get3A_716 = tpu.vector_load %arg11[%get3A_714, %get3A_715] {strides = array<i32>} : memref<200x64xf32, #tpu.memory_space<vmem>>, vector<16xf32>,
      %parallel_loop3A_717 = arith.constant 0 : i32
      %parallel_loop3A_718 = arith.constant 128 : i32
      %parallel_loop3A_719 = arith.constant 1 : i32
      %parallel_loop3A_720 = arith.constant 0 : i32
      %parallel_loop3A_721 = scf.for %parallel_loop3A_858 = %parallel_loop3A_717 to %parallel_loop3A_718 step %parallel_loop3A_719 iter_args(%parallel_loop3A_859 = %parallel_loop3A_720) -> (i32)  : i32 {
        %parallel_loop3A_860 = arith.constant 0 : i32
        %parallel_loop3A_861 = vector.broadcast %parallel_loop3A_860 : i32 to vector<16xi32>
        %parallel_loop3A_862 = vector.broadcast %parallel_loop3A_858 : i32 to vector<16xi32>
        %parallel_loop3A_863 = arith.addi %parallel_loop3A_861, %parallel_loop3A_862 : vector<16xi32>
        %parallel_loop3A_864 = arith.index_cast %parallel_loop3A_858 : i32 to index
        %parallel_loop3A_865 = arith.constant 0 : index
        %parallel_loop3A_866 = tpu.vector_load %arg8[%parallel_loop3A_864, %parallel_loop3A_865] {strides = array<i32>} : memref<128x64xf32, #tpu.memory_space<vmem>>, vector<16xf32>,
        %parallel_loop3A_867 = arith.addf %parallel_loop3A_866, %get3A_707 : vector<16xf32>
        tpu.vector_store_idx %arg10[%add3A_5, %parallel_loop3A_863], %parallel_loop3A_867 : memref<64x129xf32, #tpu.memory_space<vmem>>[vector<16xi32>, vector<16xi32>], vector<16xf32>,
        %parallel_loop3A_868 = arith.index_cast %parallel_loop3A_858 : i32 to index
        %parallel_loop3A_869 = arith.constant 16 : index
        %parallel_loop3A_870 = tpu.vector_load %arg8[%parallel_loop3A_868, %parallel_loop3A_869] {strides = array<i32>} : memref<128x64xf32, #tpu.memory_space<vmem>>, vector<16xf32>,
        %parallel_loop3A_871 = arith.addf %parallel_loop3A_870, %get3A_710 : vector<16xf32>
        tpu.vector_store_idx %arg10[%add3A_8, %parallel_loop3A_863], %parallel_loop3A_871 : memref<64x129xf32, #tpu.memory_space<vmem>>[vector<16xi32>, vector<16xi32>], vector<16xf32>,
        %parallel_loop3A_872 = arith.index_cast %parallel_loop3A_858 : i32 to index
        %parallel_loop3A_873 = arith.constant 32 : index
        %parallel_loop3A_874 = tpu.vector_load %arg8[%parallel_loop3A_872, %parallel_loop3A_873] {strides = array<i32>} : memref<128x64xf32, #tpu.memory_space<vmem>>, vector<16xf32>,
        %parallel_loop3A_875 = arith.addf %parallel_loop3A_874, %get3A_713 : vector<16xf32>
        tpu.vector_store_idx %arg10[%add3A_11, %parallel_loop3A_863], %parallel_loop3A_875 : memref<64x129xf32, #tpu.memory_space<vmem>>[vector<16xi32>, vector<16xi32>], vector<16xf32>,
        %parallel_loop3A_876 = arith.index_cast %parallel_loop3A_858 : i32 to index
        %parallel_loop3A_877 = arith.constant 48 : index
        %parallel_loop3A_878 = tpu.vector_load %arg8[%parallel_loop3A_876, %parallel_loop3A_877] {strides = array<i32>} : memref<128x64xf32, #tpu.memory_space<vmem>>, vector<16xf32>,
        %parallel_loop3A_879 = arith.addf %parallel_loop3A_878, %get3A_716 : vector<16xf32>
        tpu.vector_store_idx %arg10[%add3A_14, %parallel_loop3A_863], %parallel_loop3A_879 : memref<64x129xf32, #tpu.memory_space<vmem>>[vector<16xi32>, vector<16xi32>], vector<16xf32>,
        scf.yield %parallel_loop3A_859 : i32
      } {sc.loop_unroll_factor = 4 : i64, sc.parallel_access}
      %mul3A_722 = arith.constant 0 : i32
      %mul3A_723 = arith.muli %parallel_loop3A_721, %mul3A_722 : i32
      %add3A_724 = arith.constant 0 : i32
      %add3A_725 = arith.addi %add3A_724, %mul3A_723 : i32
      %dma_start3A_726 = arith.constant 0 : i32
      %dma_start3A_727 = arith.constant 0 : i32
      %dma_start3A_728 = tpu.memref_slice %arg10[%add3A_725, %dma_start3A_727] : memref<64x129xf32, #tpu.memory_space<vmem>> -> memref<8x128xf32, #tpu.memory_space<vmem>>
      %dma_start3A_729 = arith.constant 0 : i32
      %dma_start3A_730 = arith.constant 0 : i32
      %dma_start3A_731 = tpu.memref_slice %arg5[%select_n3A_414, %dma_start3A_726, %select_n3A_431, %dma_start3A_729, %dma_start3A_730] : memref<200x8x32x8x128xf32, #tpu.memory_space<hbm>> -> memref<1x1x1x8x128xf32, #tpu.memory_space<hbm>>
      %dma_start3A_732 = tpu.memref_squeeze %dma_start3A_731 : memref<1x1x1x8x128xf32, #tpu.memory_space<hbm>> -> memref<8x128xf32, #tpu.memory_space<hbm>>
      %dma_start3A_733 = arith.constant 0 : i32
      %dma_start3A_734 = arith.constant 0 : i32
      %dma_start3A_735 = tpu.memref_slice %arg5[%select_n3A_414, %dma_start3A_726, %select_n3A_431, %dma_start3A_733, %dma_start3A_734] : memref<200x8x32x8x128xf32, #tpu.memory_space<hbm>> -> memref<1x1x1x8x128xf32, #tpu.memory_space<hbm>>
      %dma_start3A_736 = tpu.memref_squeeze %dma_start3A_735 : memref<1x1x1x8x128xf32, #tpu.memory_space<hbm>> -> memref<8x128xf32, #tpu.memory_space<hbm>>
      %dma_start3A_737 = arith.constant 0 : i32
      %dma_start3A_738 = tpu.memref_slice %arg10[%add3A_725, %dma_start3A_737] : memref<64x129xf32, #tpu.memory_space<vmem>> -> memref<8x128xf32, #tpu.memory_space<vmem>>
      tpu.enqueue_dma source(%dma_start3A_738 : memref<8x128xf32, #tpu.memory_space<vmem>>) target(%dma_start3A_736 : memref<8x128xf32, #tpu.memory_space<hbm>>) target_semaphore(%arg15 : memref<!tpu.dma_semaphore, #tpu.memory_space<semaphore_mem>>)
      %mul3A_739 = arith.constant 0 : i32
      %mul3A_740 = arith.muli %parallel_loop3A_721, %mul3A_739 : i32
      %add3A_741 = arith.constant 8 : i32
      %add3A_742 = arith.addi %add3A_741, %mul3A_740 : i32
      %dma_start3A_743 = arith.constant 1 : i32
      %dma_start3A_744 = arith.constant 0 : i32
      %dma_start3A_745 = tpu.memref_slice %arg10[%add3A_742, %dma_start3A_744] : memref<64x129xf32, #tpu.memory_space<vmem>> -> memref<8x128xf32, #tpu.memory_space<vmem>>
      %dma_start3A_746 = arith.constant 0 : i32
      %dma_start3A_747 = arith.constant 0 : i32
      %dma_start3A_748 = tpu.memref_slice %arg5[%select_n3A_414, %dma_start3A_743, %select_n3A_431, %dma_start3A_746, %dma_start3A_747] : memref<200x8x32x8x128xf32, #tpu.memory_space<hbm>> -> memref<1x1x1x8x128xf32, #tpu.memory_space<hbm>>
      %dma_start3A_749 = tpu.memref_squeeze %dma_start3A_748 : memref<1x1x1x8x128xf32, #tpu.memory_space<hbm>> -> memref<8x128xf32, #tpu.memory_space<hbm>>
      %dma_start3A_750 = arith.constant 0 : i32
      %dma_start3A_751 = arith.constant 0 : i32
      %dma_start3A_752 = tpu.memref_slice %arg5[%select_n3A_414, %dma_start3A_743, %select_n3A_431, %dma_start3A_750, %dma_start3A_751] : memref<200x8x32x8x128xf32, #tpu.memory_space<hbm>> -> memref<1x1x1x8x128xf32, #tpu.memory_space<hbm>>
      %dma_start3A_753 = tpu.memref_squeeze %dma_start3A_752 : memref<1x1x1x8x128xf32, #tpu.memory_space<hbm>> -> memref<8x128xf32, #tpu.memory_space<hbm>>
      %dma_start3A_754 = arith.constant 0 : i32
      %dma_start3A_755 = tpu.memref_slice %arg10[%add3A_742, %dma_start3A_754] : memref<64x129xf32, #tpu.memory_space<vmem>> -> memref<8x128xf32, #tpu.memory_space<vmem>>
      tpu.enqueue_dma source(%dma_start3A_755 : memref<8x128xf32, #tpu.memory_space<vmem>>) target(%dma_start3A_753 : memref<8x128xf32, #tpu.memory_space<hbm>>) target_semaphore(%arg15 : memref<!tpu.dma_semaphore, #tpu.memory_space<semaphore_mem>>)
      %mul3A_756 = arith.constant 0 : i32
      %mul3A_757 = arith.muli %parallel_loop3A_721, %mul3A_756 : i32
      %add3A_758 = arith.constant 16 : i32
      %add3A_759 = arith.addi %add3A_758, %mul3A_757 : i32
      %dma_start3A_760 = arith.constant 2 : i32
      %dma_start3A_761 = arith.constant 0 : i32
      %dma_start3A_762 = tpu.memref_slice %arg10[%add3A_759, %dma_start3A_761] : memref<64x129xf32, #tpu.memory_space<vmem>> -> memref<8x128xf32, #tpu.memory_space<vmem>>
      %dma_start3A_763 = arith.constant 0 : i32
      %dma_start3A_764 = arith.constant 0 : i32
      %dma_start3A_765 = tpu.memref_slice %arg5[%select_n3A_414, %dma_start3A_760, %select_n3A_431, %dma_start3A_763, %dma_start3A_764] : memref<200x8x32x8x128xf32, #tpu.memory_space<hbm>> -> memref<1x1x1x8x128xf32, #tpu.memory_space<hbm>>
      %dma_start3A_766 = tpu.memref_squeeze %dma_start3A_765 : memref<1x1x1x8x128xf32, #tpu.memory_space<hbm>> -> memref<8x128xf32, #tpu.memory_space<hbm>>
      %dma_start3A_767 = arith.constant 0 : i32
      %dma_start3A_768 = arith.constant 0 : i32
      %dma_start3A_769 = tpu.memref_slice %arg5[%select_n3A_414, %dma_start3A_760, %select_n3A_431, %dma_start3A_767, %dma_start3A_768] : memref<200x8x32x8x128xf32, #tpu.memory_space<hbm>> -> memref<1x1x1x8x128xf32, #tpu.memory_space<hbm>>
      %dma_start3A_770 = tpu.memref_squeeze %dma_start3A_769 : memref<1x1x1x8x128xf32, #tpu.memory_space<hbm>> -> memref<8x128xf32, #tpu.memory_space<hbm>>
      %dma_start3A_771 = arith.constant 0 : i32
      %dma_start3A_772 = tpu.memref_slice %arg10[%add3A_759, %dma_start3A_771] : memref<64x129xf32, #tpu.memory_space<vmem>> -> memref<8x128xf32, #tpu.memory_space<vmem>>
      tpu.enqueue_dma source(%dma_start3A_772 : memref<8x128xf32, #tpu.memory_space<vmem>>) target(%dma_start3A_770 : memref<8x128xf32, #tpu.memory_space<hbm>>) target_semaphore(%arg15 : memref<!tpu.dma_semaphore, #tpu.memory_space<semaphore_mem>>)
      %mul3A_773 = arith.constant 0 : i32
      %mul3A_774 = arith.muli %parallel_loop3A_721, %mul3A_773 : i32
      %add3A_775 = arith.constant 24 : i32
      %add3A_776 = arith.addi %add3A_775, %mul3A_774 : i32
      %dma_start3A_777 = arith.constant 3 : i32
      %dma_start3A_778 = arith.constant 0 : i32
      %dma_start3A_779 = tpu.memref_slice %arg10[%add3A_776, %dma_start3A_778] : memref<64x129xf32, #tpu.memory_space<vmem>> -> memref<8x128xf32, #tpu.memory_space<vmem>>
      %dma_start3A_780 = arith.constant 0 : i32
      %dma_start3A_781 = arith.constant 0 : i32
      %dma_start3A_782 = tpu.memref_slice %arg5[%select_n3A_414, %dma_start3A_777, %select_n3A_431, %dma_start3A_780, %dma_start3A_781] : memref<200x8x32x8x128xf32, #tpu.memory_space<hbm>> -> memref<1x1x1x8x128xf32, #tpu.memory_space<hbm>>
      %dma_start3A_783 = tpu.memref_squeeze %dma_start3A_782 : memref<1x1x1x8x128xf32, #tpu.memory_space<hbm>> -> memref<8x128xf32, #tpu.memory_space<hbm>>
      %dma_start3A_784 = arith.constant 0 : i32
      %dma_start3A_785 = arith.constant 0 : i32
      %dma_start3A_786 = tpu.memref_slice %arg5[%select_n3A_414, %dma_start3A_777, %select_n3A_431, %dma_start3A_784, %dma_start3A_785] : memref<200x8x32x8x128xf32, #tpu.memory_space<hbm>> -> memref<1x1x1x8x128xf32, #tpu.memory_space<hbm>>
      %dma_start3A_787 = tpu.memref_squeeze %dma_start3A_786 : memref<1x1x1x8x128xf32, #tpu.memory_space<hbm>> -> memref<8x128xf32, #tpu.memory_space<hbm>>
      %dma_start3A_788 = arith.constant 0 : i32
      %dma_start3A_789 = tpu.memref_slice %arg10[%add3A_776, %dma_start3A_788] : memref<64x129xf32, #tpu.memory_space<vmem>> -> memref<8x128xf32, #tpu.memory_space<vmem>>
      tpu.enqueue_dma source(%dma_start3A_789 : memref<8x128xf32, #tpu.memory_space<vmem>>) target(%dma_start3A_787 : memref<8x128xf32, #tpu.memory_space<hbm>>) target_semaphore(%arg15 : memref<!tpu.dma_semaphore, #tpu.memory_space<semaphore_mem>>)
      %mul3A_790 = arith.constant 0 : i32
      %mul3A_791 = arith.muli %parallel_loop3A_721, %mul3A_790 : i32
      %add3A_792 = arith.constant 32 : i32
      %add3A_793 = arith.addi %add3A_792, %mul3A_791 : i32
      %dma_start3A_794 = arith.constant 4 : i32
      %dma_start3A_795 = arith.constant 0 : i32
      %dma_start3A_796 = tpu.memref_slice %arg10[%add3A_793, %dma_start3A_795] : memref<64x129xf32, #tpu.memory_space<vmem>> -> memref<8x128xf32, #tpu.memory_space<vmem>>
      %dma_start3A_797 = arith.constant 0 : i32
      %dma_start3A_798 = arith.constant 0 : i32
      %dma_start3A_799 = tpu.memref_slice %arg5[%select_n3A_414, %dma_start3A_794, %select_n3A_431, %dma_start3A_797, %dma_start3A_798] : memref<200x8x32x8x128xf32, #tpu.memory_space<hbm>> -> memref<1x1x1x8x128xf32, #tpu.memory_space<hbm>>
      %dma_start3A_800 = tpu.memref_squeeze %dma_start3A_799 : memref<1x1x1x8x128xf32, #tpu.memory_space<hbm>> -> memref<8x128xf32, #tpu.memory_space<hbm>>
      %dma_start3A_801 = arith.constant 0 : i32
      %dma_start3A_802 = arith.constant 0 : i32
      %dma_start3A_803 = tpu.memref_slice %arg5[%select_n3A_414, %dma_start3A_794, %select_n3A_431, %dma_start3A_801, %dma_start3A_802] : memref<200x8x32x8x128xf32, #tpu.memory_space<hbm>> -> memref<1x1x1x8x128xf32, #tpu.memory_space<hbm>>
      %dma_start3A_804 = tpu.memref_squeeze %dma_start3A_803 : memref<1x1x1x8x128xf32, #tpu.memory_space<hbm>> -> memref<8x128xf32, #tpu.memory_space<hbm>>
      %dma_start3A_805 = arith.constant 0 : i32
      %dma_start3A_806 = tpu.memref_slice %arg10[%add3A_793, %dma_start3A_805] : memref<64x129xf32, #tpu.memory_space<vmem>> -> memref<8x128xf32, #tpu.memory_space<vmem>>
      tpu.enqueue_dma source(%dma_start3A_806 : memref<8x128xf32, #tpu.memory_space<vmem>>) target(%dma_start3A_804 : memref<8x128xf32, #tpu.memory_space<hbm>>) target_semaphore(%arg15 : memref<!tpu.dma_semaphore, #tpu.memory_space<semaphore_mem>>)
      %mul3A_807 = arith.constant 0 : i32
      %mul3A_808 = arith.muli %parallel_loop3A_721, %mul3A_807 : i32
      %add3A_809 = arith.constant 40 : i32
      %add3A_810 = arith.addi %add3A_809, %mul3A_808 : i32
      %dma_start3A_811 = arith.constant 5 : i32
      %dma_start3A_812 = arith.constant 0 : i32
      %dma_start3A_813 = tpu.memref_slice %arg10[%add3A_810, %dma_start3A_812] : memref<64x129xf32, #tpu.memory_space<vmem>> -> memref<8x128xf32, #tpu.memory_space<vmem>>
      %dma_start3A_814 = arith.constant 0 : i32
      %dma_start3A_815 = arith.constant 0 : i32
      %dma_start3A_816 = tpu.memref_slice %arg5[%select_n3A_414, %dma_start3A_811, %select_n3A_431, %dma_start3A_814, %dma_start3A_815] : memref<200x8x32x8x128xf32, #tpu.memory_space<hbm>> -> memref<1x1x1x8x128xf32, #tpu.memory_space<hbm>>
      %dma_start3A_817 = tpu.memref_squeeze %dma_start3A_816 : memref<1x1x1x8x128xf32, #tpu.memory_space<hbm>> -> memref<8x128xf32, #tpu.memory_space<hbm>>
      %dma_start3A_818 = arith.constant 0 : i32
      %dma_start3A_819 = arith.constant 0 : i32
      %dma_start3A_820 = tpu.memref_slice %arg5[%select_n3A_414, %dma_start3A_811, %select_n3A_431, %dma_start3A_818, %dma_start3A_819] : memref<200x8x32x8x128xf32, #tpu.memory_space<hbm>> -> memref<1x1x1x8x128xf32, #tpu.memory_space<hbm>>
      %dma_start3A_821 = tpu.memref_squeeze %dma_start3A_820 : memref<1x1x1x8x128xf32, #tpu.memory_space<hbm>> -> memref<8x128xf32, #tpu.memory_space<hbm>>
      %dma_start3A_822 = arith.constant 0 : i32
      %dma_start3A_823 = tpu.memref_slice %arg10[%add3A_810, %dma_start3A_822] : memref<64x129xf32, #tpu.memory_space<vmem>> -> memref<8x128xf32, #tpu.memory_space<vmem>>
      tpu.enqueue_dma source(%dma_start3A_823 : memref<8x128xf32, #tpu.memory_space<vmem>>) target(%dma_start3A_821 : memref<8x128xf32, #tpu.memory_space<hbm>>) target_semaphore(%arg15 : memref<!tpu.dma_semaphore, #tpu.memory_space<semaphore_mem>>)
      %mul3A_824 = arith.constant 0 : i32
      %mul3A_825 = arith.muli %parallel_loop3A_721, %mul3A_824 : i32
      %add3A_826 = arith.constant 48 : i32
      %add3A_827 = arith.addi %add3A_826, %mul3A_825 : i32
      %dma_start3A_828 = arith.constant 6 : i32
      %dma_start3A_829 = arith.constant 0 : i32
      %dma_start3A_830 = tpu.memref_slice %arg10[%add3A_827, %dma_start3A_829] : memref<64x129xf32, #tpu.memory_space<vmem>> -> memref<8x128xf32, #tpu.memory_space<vmem>>
      %dma_start3A_831 = arith.constant 0 : i32
      %dma_start3A_832 = arith.constant 0 : i32
      %dma_start3A_833 = tpu.memref_slice %arg5[%select_n3A_414, %dma_start3A_828, %select_n3A_431, %dma_start3A_831, %dma_start3A_832] : memref<200x8x32x8x128xf32, #tpu.memory_space<hbm>> -> memref<1x1x1x8x128xf32, #tpu.memory_space<hbm>>
      %dma_start3A_834 = tpu.memref_squeeze %dma_start3A_833 : memref<1x1x1x8x128xf32, #tpu.memory_space<hbm>> -> memref<8x128xf32, #tpu.memory_space<hbm>>
      %dma_start3A_835 = arith.constant 0 : i32
      %dma_start3A_836 = arith.constant 0 : i32
      %dma_start3A_837 = tpu.memref_slice %arg5[%select_n3A_414, %dma_start3A_828, %select_n3A_431, %dma_start3A_835, %dma_start3A_836] : memref<200x8x32x8x128xf32, #tpu.memory_space<hbm>> -> memref<1x1x1x8x128xf32, #tpu.memory_space<hbm>>
      %dma_start3A_838 = tpu.memref_squeeze %dma_start3A_837 : memref<1x1x1x8x128xf32, #tpu.memory_space<hbm>> -> memref<8x128xf32, #tpu.memory_space<hbm>>
      %dma_start3A_839 = arith.constant 0 : i32
      %dma_start3A_840 = tpu.memref_slice %arg10[%add3A_827, %dma_start3A_839] : memref<64x129xf32, #tpu.memory_space<vmem>> -> memref<8x128xf32, #tpu.memory_space<vmem>>
      tpu.enqueue_dma source(%dma_start3A_840 : memref<8x128xf32, #tpu.memory_space<vmem>>) target(%dma_start3A_838 : memref<8x128xf32, #tpu.memory_space<hbm>>) target_semaphore(%arg15 : memref<!tpu.dma_semaphore, #tpu.memory_space<semaphore_mem>>)
      %mul3A_841 = arith.constant 0 : i32
      %mul3A_842 = arith.muli %parallel_loop3A_721, %mul3A_841 : i32
      %add3A_843 = arith.constant 56 : i32
      %add3A_844 = arith.addi %add3A_843, %mul3A_842 : i32
      %dma_start3A_845 = arith.constant 7 : i32
      %dma_start3A_846 = arith.constant 0 : i32
      %dma_start3A_847 = tpu.memref_slice %arg10[%add3A_844, %dma_start3A_846] : memref<64x129xf32, #tpu.memory_space<vmem>> -> memref<8x128xf32, #tpu.memory_space<vmem>>
      %dma_start3A_848 = arith.constant 0 : i32
      %dma_start3A_849 = arith.constant 0 : i32
      %dma_start3A_850 = tpu.memref_slice %arg5[%select_n3A_414, %dma_start3A_845, %select_n3A_431, %dma_start3A_848, %dma_start3A_849] : memref<200x8x32x8x128xf32, #tpu.memory_space<hbm>> -> memref<1x1x1x8x128xf32, #tpu.memory_space<hbm>>
      %dma_start3A_851 = tpu.memref_squeeze %dma_start3A_850 : memref<1x1x1x8x128xf32, #tpu.memory_space<hbm>> -> memref<8x128xf32, #tpu.memory_space<hbm>>
      %dma_start3A_852 = arith.constant 0 : i32
      %dma_start3A_853 = arith.constant 0 : i32
      %dma_start3A_854 = tpu.memref_slice %arg5[%select_n3A_414, %dma_start3A_845, %select_n3A_431, %dma_start3A_852, %dma_start3A_853] : memref<200x8x32x8x128xf32, #tpu.memory_space<hbm>> -> memref<1x1x1x8x128xf32, #tpu.memory_space<hbm>>
      %dma_start3A_855 = tpu.memref_squeeze %dma_start3A_854 : memref<1x1x1x8x128xf32, #tpu.memory_space<hbm>> -> memref<8x128xf32, #tpu.memory_space<hbm>>
      %dma_start3A_856 = arith.constant 0 : i32
      %dma_start3A_857 = tpu.memref_slice %arg10[%add3A_844, %dma_start3A_856] : memref<64x129xf32, #tpu.memory_space<vmem>> -> memref<8x128xf32, #tpu.memory_space<vmem>>
      tpu.enqueue_dma source(%dma_start3A_857 : memref<8x128xf32, #tpu.memory_space<vmem>>) target(%dma_start3A_855 : memref<8x128xf32, #tpu.memory_space<hbm>>) target_semaphore(%arg15 : memref<!tpu.dma_semaphore, #tpu.memory_space<semaphore_mem>>)
    }
    %scan3A_25 = arith.constant 100 : i32
    %add3A_26 = arith.constant 198 : i32
    %add3A_27 = arith.addi %mul3A_2, %add3A_26 : i32
    %jit3A = arith.constant 32 : i32
    %div3A = arith.divsi %add3A_27, %jit3A : i32
    %sign3A = arith.constant 0 : i32
    %sign3A_28 = arith.cmpi sgt, %add3A_27, %sign3A : i32
    %sign3A_29 = arith.extui %sign3A_28 : i1 to i32
    %sign3A_30 = arith.constant 0 : i32
    %sign3A_31 = arith.cmpi slt, %add3A_27, %sign3A_30 : i32
    %sign3A_32 = arith.extui %sign3A_31 : i1 to i32
    %sign3A_33 = arith.subi %sign3A_29, %sign3A_32 : i32
    %sign3A_34 = arith.constant 0 : i32
    %sign3A_35 = arith.cmpi sgt, %jit3A, %sign3A_34 : i32
    %sign3A_36 = arith.extui %sign3A_35 : i1 to i32
    %sign3A_37 = arith.constant 0 : i32
    %sign3A_38 = arith.cmpi slt, %jit3A, %sign3A_37 : i32
    %sign3A_39 = arith.extui %sign3A_38 : i1 to i32
    %sign3A_40 = arith.subi %sign3A_36, %sign3A_39 : i32
    %ne3A = arith.cmpi ne, %sign3A_33, %sign3A_40 : i32
    %rem3A = arith.remsi %add3A_27, %jit3A : i32
    %ne3A_41 = arith.constant 0 : i32
    %ne3A_42 = arith.cmpi ne, %rem3A, %ne3A_41 : i32
    %and3A = arith.andi %ne3A, %ne3A_42 : i1
    %sub3A = arith.constant 1 : i32
    %sub3A_43 = arith.subi %div3A, %sub3A : i32
    %select_n3A = arith.select %and3A, %sub3A_43, %div3A : i32
    %add3A_44 = arith.constant 198 : i32
    %add3A_45 = arith.addi %mul3A_2, %add3A_44 : i32
    %jit3A_46 = arith.constant 32 : i32
    %eq3A = arith.constant 0 : i32
    %eq3A_47 = arith.cmpi eq, %jit3A_46, %eq3A : i32
    %jit3A_48 = arith.constant 1 : i32
    %select_n3A_49 = arith.select %eq3A_47, %jit3A_48, %jit3A_46 : i32
    %rem3A_50 = arith.remsi %add3A_45, %select_n3A_49 : i32
    %ne3A_51 = arith.constant 0 : i32
    %ne3A_52 = arith.cmpi ne, %rem3A_50, %ne3A_51 : i32
    %lt3A = arith.constant 0 : i32
    %lt3A_53 = arith.cmpi slt, %rem3A_50, %lt3A : i32
    %lt3A_54 = arith.constant 0 : i32
    %lt3A_55 = arith.cmpi slt, %select_n3A_49, %lt3A_54 : i32
    %ne3A_56 = arith.xori %lt3A_53, %lt3A_55 : i1
    %and3A_57 = arith.andi %ne3A_56, %ne3A_52 : i1
    %add3A_58 = arith.addi %rem3A_50, %select_n3A_49 : i32
    %select_n3A_59 = arith.select %and3A_57, %add3A_58, %rem3A_50 : i32
    %add3A_60 = arith.constant 199 : i32
    %add3A_61 = arith.addi %mul3A_2, %add3A_60 : i32
    %jit3A_62 = arith.constant 32 : i32
    %div3A_63 = arith.divsi %add3A_61, %jit3A_62 : i32
    %sign3A_64 = arith.constant 0 : i32
    %sign3A_65 = arith.cmpi sgt, %add3A_61, %sign3A_64 : i32
    %sign3A_66 = arith.extui %sign3A_65 : i1 to i32
    %sign3A_67 = arith.constant 0 : i32
    %sign3A_68 = arith.cmpi slt, %add3A_61, %sign3A_67 : i32
    %sign3A_69 = arith.extui %sign3A_68 : i1 to i32
    %sign3A_70 = arith.subi %sign3A_66, %sign3A_69 : i32
    %sign3A_71 = arith.constant 0 : i32
    %sign3A_72 = arith.cmpi sgt, %jit3A_62, %sign3A_71 : i32
    %sign3A_73 = arith.extui %sign3A_72 : i1 to i32
    %sign3A_74 = arith.constant 0 : i32
    %sign3A_75 = arith.cmpi slt, %jit3A_62, %sign3A_74 : i32
    %sign3A_76 = arith.extui %sign3A_75 : i1 to i32
    %sign3A_77 = arith.subi %sign3A_73, %sign3A_76 : i32
    %ne3A_78 = arith.cmpi ne, %sign3A_70, %sign3A_77 : i32
    %rem3A_79 = arith.remsi %add3A_61, %jit3A_62 : i32
    %ne3A_80 = arith.constant 0 : i32
    %ne3A_81 = arith.cmpi ne, %rem3A_79, %ne3A_80 : i32
    %and3A_82 = arith.andi %ne3A_78, %ne3A_81 : i1
    %sub3A_83 = arith.constant 1 : i32
    %sub3A_84 = arith.subi %div3A_63, %sub3A_83 : i32
    %select_n3A_85 = arith.select %and3A_82, %sub3A_84, %div3A_63 : i32
    %add3A_86 = arith.constant 199 : i32
    %add3A_87 = arith.addi %mul3A_2, %add3A_86 : i32
    %jit3A_88 = arith.constant 32 : i32
    %eq3A_89 = arith.constant 0 : i32
    %eq3A_90 = arith.cmpi eq, %jit3A_88, %eq3A_89 : i32
    %jit3A_91 = arith.constant 1 : i32
    %select_n3A_92 = arith.select %eq3A_90, %jit3A_91, %jit3A_88 : i32
    %rem3A_93 = arith.remsi %add3A_87, %select_n3A_92 : i32
    %ne3A_94 = arith.constant 0 : i32
    %ne3A_95 = arith.cmpi ne, %rem3A_93, %ne3A_94 : i32
    %lt3A_96 = arith.constant 0 : i32
    %lt3A_97 = arith.cmpi slt, %rem3A_93, %lt3A_96 : i32
    %lt3A_98 = arith.constant 0 : i32
    %lt3A_99 = arith.cmpi slt, %select_n3A_92, %lt3A_98 : i32
    %ne3A_100 = arith.xori %lt3A_97, %lt3A_99 : i1
    %and3A_101 = arith.andi %ne3A_100, %ne3A_95 : i1
    %add3A_102 = arith.addi %rem3A_93, %select_n3A_92 : i32
    %select_n3A_103 = arith.select %and3A_101, %add3A_102, %rem3A_93 : i32
    %dma_wait3A = arith.constant 0 : i32
    %dma_wait3A_104 = arith.constant 0 : i32
    %dma_wait3A_105 = arith.constant 0 : i32
    %dma_wait3A_106 = tpu.memref_slice %arg9[%dma_wait3A_104, %dma_wait3A_105] : memref<64x129xf32, #tpu.memory_space<vmem>> -> memref<8x128xf32, #tpu.memory_space<vmem>>
    %dma_wait3A_107 = arith.constant 0 : i32
    %dma_wait3A_108 = arith.constant 0 : i32
    %dma_wait3A_109 = tpu.memref_slice %arg5[%select_n3A, %dma_wait3A, %select_n3A_59, %dma_wait3A_107, %dma_wait3A_108] : memref<200x8x32x8x128xf32, #tpu.memory_space<hbm>> -> memref<1x1x1x8x128xf32, #tpu.memory_space<hbm>>
    %dma_wait3A_110 = tpu.memref_squeeze %dma_wait3A_109 : memref<1x1x1x8x128xf32, #tpu.memory_space<hbm>> -> memref<8x128xf32, #tpu.memory_space<hbm>>
    %dma_wait3A_111 = arith.constant 0 : i32
    %dma_wait3A_112 = arith.constant 0 : i32
    %dma_wait3A_113 = tpu.memref_slice %arg5[%select_n3A, %dma_wait3A, %select_n3A_59, %dma_wait3A_111, %dma_wait3A_112] : memref<200x8x32x8x128xf32, #tpu.memory_space<hbm>> -> memref<1x1x1x8x128xf32, #tpu.memory_space<hbm>>
    %dma_wait3A_114 = tpu.memref_squeeze %dma_wait3A_113 : memref<1x1x1x8x128xf32, #tpu.memory_space<hbm>> -> memref<8x128xf32, #tpu.memory_space<hbm>>
    %dma_wait3A_115 = arith.constant 0 : i32
    %dma_wait3A_116 = arith.constant 0 : i32
    %dma_wait3A_117 = tpu.memref_slice %arg9[%dma_wait3A_115, %dma_wait3A_116] : memref<64x129xf32, #tpu.memory_space<vmem>> -> memref<8x128xf32, #tpu.memory_space<vmem>>
    tpu.wait_dma2 semaphore(%arg14 : memref<!tpu.dma_semaphore, #tpu.memory_space<semaphore_mem>>) src(%dma_wait3A_117 : memref<8x128xf32, #tpu.memory_space<vmem>>) dst(%dma_wait3A_114 : memref<8x128xf32, #tpu.memory_space<hbm>>)
    %dma_wait3A_118 = arith.constant 1 : i32
    %dma_wait3A_119 = arith.constant 8 : i32
    %dma_wait3A_120 = arith.constant 0 : i32
    %dma_wait3A_121 = tpu.memref_slice %arg9[%dma_wait3A_119, %dma_wait3A_120] : memref<64x129xf32, #tpu.memory_space<vmem>> -> memref<8x128xf32, #tpu.memory_space<vmem>>
    %dma_wait3A_122 = arith.constant 0 : i32
    %dma_wait3A_123 = arith.constant 0 : i32
    %dma_wait3A_124 = tpu.memref_slice %arg5[%select_n3A, %dma_wait3A_118, %select_n3A_59, %dma_wait3A_122, %dma_wait3A_123] : memref<200x8x32x8x128xf32, #tpu.memory_space<hbm>> -> memref<1x1x1x8x128xf32, #tpu.memory_space<hbm>>
    %dma_wait3A_125 = tpu.memref_squeeze %dma_wait3A_124 : memref<1x1x1x8x128xf32, #tpu.memory_space<hbm>> -> memref<8x128xf32, #tpu.memory_space<hbm>>
    %dma_wait3A_126 = arith.constant 0 : i32
    %dma_wait3A_127 = arith.constant 0 : i32
    %dma_wait3A_128 = tpu.memref_slice %arg5[%select_n3A, %dma_wait3A_118, %select_n3A_59, %dma_wait3A_126, %dma_wait3A_127] : memref<200x8x32x8x128xf32, #tpu.memory_space<hbm>> -> memref<1x1x1x8x128xf32, #tpu.memory_space<hbm>>
    %dma_wait3A_129 = tpu.memref_squeeze %dma_wait3A_128 : memref<1x1x1x8x128xf32, #tpu.memory_space<hbm>> -> memref<8x128xf32, #tpu.memory_space<hbm>>
    %dma_wait3A_130 = arith.constant 8 : i32
    %dma_wait3A_131 = arith.constant 0 : i32
    %dma_wait3A_132 = tpu.memref_slice %arg9[%dma_wait3A_130, %dma_wait3A_131] : memref<64x129xf32, #tpu.memory_space<vmem>> -> memref<8x128xf32, #tpu.memory_space<vmem>>
    tpu.wait_dma2 semaphore(%arg14 : memref<!tpu.dma_semaphore, #tpu.memory_space<semaphore_mem>>) src(%dma_wait3A_132 : memref<8x128xf32, #tpu.memory_space<vmem>>) dst(%dma_wait3A_129 : memref<8x128xf32, #tpu.memory_space<hbm>>)
    %dma_wait3A_133 = arith.constant 2 : i32
    %dma_wait3A_134 = arith.constant 16 : i32
    %dma_wait3A_135 = arith.constant 0 : i32
    %dma_wait3A_136 = tpu.memref_slice %arg9[%dma_wait3A_134, %dma_wait3A_135] : memref<64x129xf32, #tpu.memory_space<vmem>> -> memref<8x128xf32, #tpu.memory_space<vmem>>
    %dma_wait3A_137 = arith.constant 0 : i32
    %dma_wait3A_138 = arith.constant 0 : i32
    %dma_wait3A_139 = tpu.memref_slice %arg5[%select_n3A, %dma_wait3A_133, %select_n3A_59, %dma_wait3A_137, %dma_wait3A_138] : memref<200x8x32x8x128xf32, #tpu.memory_space<hbm>> -> memref<1x1x1x8x128xf32, #tpu.memory_space<hbm>>
    %dma_wait3A_140 = tpu.memref_squeeze %dma_wait3A_139 : memref<1x1x1x8x128xf32, #tpu.memory_space<hbm>> -> memref<8x128xf32, #tpu.memory_space<hbm>>
    %dma_wait3A_141 = arith.constant 0 : i32
    %dma_wait3A_142 = arith.constant 0 : i32
    %dma_wait3A_143 = tpu.memref_slice %arg5[%select_n3A, %dma_wait3A_133, %select_n3A_59, %dma_wait3A_141, %dma_wait3A_142] : memref<200x8x32x8x128xf32, #tpu.memory_space<hbm>> -> memref<1x1x1x8x128xf32, #tpu.memory_space<hbm>>
    %dma_wait3A_144 = tpu.memref_squeeze %dma_wait3A_143 : memref<1x1x1x8x128xf32, #tpu.memory_space<hbm>> -> memref<8x128xf32, #tpu.memory_space<hbm>>
    %dma_wait3A_145 = arith.constant 16 : i32
    %dma_wait3A_146 = arith.constant 0 : i32
    %dma_wait3A_147 = tpu.memref_slice %arg9[%dma_wait3A_145, %dma_wait3A_146] : memref<64x129xf32, #tpu.memory_space<vmem>> -> memref<8x128xf32, #tpu.memory_space<vmem>>
    tpu.wait_dma2 semaphore(%arg14 : memref<!tpu.dma_semaphore, #tpu.memory_space<semaphore_mem>>) src(%dma_wait3A_147 : memref<8x128xf32, #tpu.memory_space<vmem>>) dst(%dma_wait3A_144 : memref<8x128xf32, #tpu.memory_space<hbm>>)
    %dma_wait3A_148 = arith.constant 3 : i32
    %dma_wait3A_149 = arith.constant 24 : i32
    %dma_wait3A_150 = arith.constant 0 : i32
    %dma_wait3A_151 = tpu.memref_slice %arg9[%dma_wait3A_149, %dma_wait3A_150] : memref<64x129xf32, #tpu.memory_space<vmem>> -> memref<8x128xf32, #tpu.memory_space<vmem>>
    %dma_wait3A_152 = arith.constant 0 : i32
    %dma_wait3A_153 = arith.constant 0 : i32
    %dma_wait3A_154 = tpu.memref_slice %arg5[%select_n3A, %dma_wait3A_148, %select_n3A_59, %dma_wait3A_152, %dma_wait3A_153] : memref<200x8x32x8x128xf32, #tpu.memory_space<hbm>> -> memref<1x1x1x8x128xf32, #tpu.memory_space<hbm>>
    %dma_wait3A_155 = tpu.memref_squeeze %dma_wait3A_154 : memref<1x1x1x8x128xf32, #tpu.memory_space<hbm>> -> memref<8x128xf32, #tpu.memory_space<hbm>>
    %dma_wait3A_156 = arith.constant 0 : i32
    %dma_wait3A_157 = arith.constant 0 : i32
    %dma_wait3A_158 = tpu.memref_slice %arg5[%select_n3A, %dma_wait3A_148, %select_n3A_59, %dma_wait3A_156, %dma_wait3A_157] : memref<200x8x32x8x128xf32, #tpu.memory_space<hbm>> -> memref<1x1x1x8x128xf32, #tpu.memory_space<hbm>>
    %dma_wait3A_159 = tpu.memref_squeeze %dma_wait3A_158 : memref<1x1x1x8x128xf32, #tpu.memory_space<hbm>> -> memref<8x128xf32, #tpu.memory_space<hbm>>
    %dma_wait3A_160 = arith.constant 24 : i32
    %dma_wait3A_161 = arith.constant 0 : i32
    %dma_wait3A_162 = tpu.memref_slice %arg9[%dma_wait3A_160, %dma_wait3A_161] : memref<64x129xf32, #tpu.memory_space<vmem>> -> memref<8x128xf32, #tpu.memory_space<vmem>>
    tpu.wait_dma2 semaphore(%arg14 : memref<!tpu.dma_semaphore, #tpu.memory_space<semaphore_mem>>) src(%dma_wait3A_162 : memref<8x128xf32, #tpu.memory_space<vmem>>) dst(%dma_wait3A_159 : memref<8x128xf32, #tpu.memory_space<hbm>>)
    %dma_wait3A_163 = arith.constant 4 : i32
    %dma_wait3A_164 = arith.constant 32 : i32
    %dma_wait3A_165 = arith.constant 0 : i32
    %dma_wait3A_166 = tpu.memref_slice %arg9[%dma_wait3A_164, %dma_wait3A_165] : memref<64x129xf32, #tpu.memory_space<vmem>> -> memref<8x128xf32, #tpu.memory_space<vmem>>
    %dma_wait3A_167 = arith.constant 0 : i32
    %dma_wait3A_168 = arith.constant 0 : i32
    %dma_wait3A_169 = tpu.memref_slice %arg5[%select_n3A, %dma_wait3A_163, %select_n3A_59, %dma_wait3A_167, %dma_wait3A_168] : memref<200x8x32x8x128xf32, #tpu.memory_space<hbm>> -> memref<1x1x1x8x128xf32, #tpu.memory_space<hbm>>
    %dma_wait3A_170 = tpu.memref_squeeze %dma_wait3A_169 : memref<1x1x1x8x128xf32, #tpu.memory_space<hbm>> -> memref<8x128xf32, #tpu.memory_space<hbm>>
    %dma_wait3A_171 = arith.constant 0 : i32
    %dma_wait3A_172 = arith.constant 0 : i32
    %dma_wait3A_173 = tpu.memref_slice %arg5[%select_n3A, %dma_wait3A_163, %select_n3A_59, %dma_wait3A_171, %dma_wait3A_172] : memref<200x8x32x8x128xf32, #tpu.memory_space<hbm>> -> memref<1x1x1x8x128xf32, #tpu.memory_space<hbm>>
    %dma_wait3A_174 = tpu.memref_squeeze %dma_wait3A_173 : memref<1x1x1x8x128xf32, #tpu.memory_space<hbm>> -> memref<8x128xf32, #tpu.memory_space<hbm>>
    %dma_wait3A_175 = arith.constant 32 : i32
    %dma_wait3A_176 = arith.constant 0 : i32
    %dma_wait3A_177 = tpu.memref_slice %arg9[%dma_wait3A_175, %dma_wait3A_176] : memref<64x129xf32, #tpu.memory_space<vmem>> -> memref<8x128xf32, #tpu.memory_space<vmem>>
    tpu.wait_dma2 semaphore(%arg14 : memref<!tpu.dma_semaphore, #tpu.memory_space<semaphore_mem>>) src(%dma_wait3A_177 : memref<8x128xf32, #tpu.memory_space<vmem>>) dst(%dma_wait3A_174 : memref<8x128xf32, #tpu.memory_space<hbm>>)
    %dma_wait3A_178 = arith.constant 5 : i32
    %dma_wait3A_179 = arith.constant 40 : i32
    %dma_wait3A_180 = arith.constant 0 : i32
    %dma_wait3A_181 = tpu.memref_slice %arg9[%dma_wait3A_179, %dma_wait3A_180] : memref<64x129xf32, #tpu.memory_space<vmem>> -> memref<8x128xf32, #tpu.memory_space<vmem>>
    %dma_wait3A_182 = arith.constant 0 : i32
    %dma_wait3A_183 = arith.constant 0 : i32
    %dma_wait3A_184 = tpu.memref_slice %arg5[%select_n3A, %dma_wait3A_178, %select_n3A_59, %dma_wait3A_182, %dma_wait3A_183] : memref<200x8x32x8x128xf32, #tpu.memory_space<hbm>> -> memref<1x1x1x8x128xf32, #tpu.memory_space<hbm>>
    %dma_wait3A_185 = tpu.memref_squeeze %dma_wait3A_184 : memref<1x1x1x8x128xf32, #tpu.memory_space<hbm>> -> memref<8x128xf32, #tpu.memory_space<hbm>>
    %dma_wait3A_186 = arith.constant 0 : i32
    %dma_wait3A_187 = arith.constant 0 : i32
    %dma_wait3A_188 = tpu.memref_slice %arg5[%select_n3A, %dma_wait3A_178, %select_n3A_59, %dma_wait3A_186, %dma_wait3A_187] : memref<200x8x32x8x128xf32, #tpu.memory_space<hbm>> -> memref<1x1x1x8x128xf32, #tpu.memory_space<hbm>>
    %dma_wait3A_189 = tpu.memref_squeeze %dma_wait3A_188 : memref<1x1x1x8x128xf32, #tpu.memory_space<hbm>> -> memref<8x128xf32, #tpu.memory_space<hbm>>
    %dma_wait3A_190 = arith.constant 40 : i32
    %dma_wait3A_191 = arith.constant 0 : i32
    %dma_wait3A_192 = tpu.memref_slice %arg9[%dma_wait3A_190, %dma_wait3A_191] : memref<64x129xf32, #tpu.memory_space<vmem>> -> memref<8x128xf32, #tpu.memory_space<vmem>>
    tpu.wait_dma2 semaphore(%arg14 : memref<!tpu.dma_semaphore, #tpu.memory_space<semaphore_mem>>) src(%dma_wait3A_192 : memref<8x128xf32, #tpu.memory_space<vmem>>) dst(%dma_wait3A_189 : memref<8x128xf32, #tpu.memory_space<hbm>>)
    %dma_wait3A_193 = arith.constant 6 : i32
    %dma_wait3A_194 = arith.constant 48 : i32
    %dma_wait3A_195 = arith.constant 0 : i32
    %dma_wait3A_196 = tpu.memref_slice %arg9[%dma_wait3A_194, %dma_wait3A_195] : memref<64x129xf32, #tpu.memory_space<vmem>> -> memref<8x128xf32, #tpu.memory_space<vmem>>
    %dma_wait3A_197 = arith.constant 0 : i32
    %dma_wait3A_198 = arith.constant 0 : i32
    %dma_wait3A_199 = tpu.memref_slice %arg5[%select_n3A, %dma_wait3A_193, %select_n3A_59, %dma_wait3A_197, %dma_wait3A_198] : memref<200x8x32x8x128xf32, #tpu.memory_space<hbm>> -> memref<1x1x1x8x128xf32, #tpu.memory_space<hbm>>
    %dma_wait3A_200 = tpu.memref_squeeze %dma_wait3A_199 : memref<1x1x1x8x128xf32, #tpu.memory_space<hbm>> -> memref<8x128xf32, #tpu.memory_space<hbm>>
    %dma_wait3A_201 = arith.constant 0 : i32
    %dma_wait3A_202 = arith.constant 0 : i32
    %dma_wait3A_203 = tpu.memref_slice %arg5[%select_n3A, %dma_wait3A_193, %select_n3A_59, %dma_wait3A_201, %dma_wait3A_202] : memref<200x8x32x8x128xf32, #tpu.memory_space<hbm>> -> memref<1x1x1x8x128xf32, #tpu.memory_space<hbm>>
    %dma_wait3A_204 = tpu.memref_squeeze %dma_wait3A_203 : memref<1x1x1x8x128xf32, #tpu.memory_space<hbm>> -> memref<8x128xf32, #tpu.memory_space<hbm>>
    %dma_wait3A_205 = arith.constant 48 : i32
    %dma_wait3A_206 = arith.constant 0 : i32
    %dma_wait3A_207 = tpu.memref_slice %arg9[%dma_wait3A_205, %dma_wait3A_206] : memref<64x129xf32, #tpu.memory_space<vmem>> -> memref<8x128xf32, #tpu.memory_space<vmem>>
    tpu.wait_dma2 semaphore(%arg14 : memref<!tpu.dma_semaphore, #tpu.memory_space<semaphore_mem>>) src(%dma_wait3A_207 : memref<8x128xf32, #tpu.memory_space<vmem>>) dst(%dma_wait3A_204 : memref<8x128xf32, #tpu.memory_space<hbm>>)
    %dma_wait3A_208 = arith.constant 7 : i32
    %dma_wait3A_209 = arith.constant 56 : i32
    %dma_wait3A_210 = arith.constant 0 : i32
    %dma_wait3A_211 = tpu.memref_slice %arg9[%dma_wait3A_209, %dma_wait3A_210] : memref<64x129xf32, #tpu.memory_space<vmem>> -> memref<8x128xf32, #tpu.memory_space<vmem>>
    %dma_wait3A_212 = arith.constant 0 : i32
    %dma_wait3A_213 = arith.constant 0 : i32
    %dma_wait3A_214 = tpu.memref_slice %arg5[%select_n3A, %dma_wait3A_208, %select_n3A_59, %dma_wait3A_212, %dma_wait3A_213] : memref<200x8x32x8x128xf32, #tpu.memory_space<hbm>> -> memref<1x1x1x8x128xf32, #tpu.memory_space<hbm>>
    %dma_wait3A_215 = tpu.memref_squeeze %dma_wait3A_214 : memref<1x1x1x8x128xf32, #tpu.memory_space<hbm>> -> memref<8x128xf32, #tpu.memory_space<hbm>>
    %dma_wait3A_216 = arith.constant 0 : i32
    %dma_wait3A_217 = arith.constant 0 : i32
    %dma_wait3A_218 = tpu.memref_slice %arg5[%select_n3A, %dma_wait3A_208, %select_n3A_59, %dma_wait3A_216, %dma_wait3A_217] : memref<200x8x32x8x128xf32, #tpu.memory_space<hbm>> -> memref<1x1x1x8x128xf32, #tpu.memory_space<hbm>>
    %dma_wait3A_219 = tpu.memref_squeeze %dma_wait3A_218 : memref<1x1x1x8x128xf32, #tpu.memory_space<hbm>> -> memref<8x128xf32, #tpu.memory_space<hbm>>
    %dma_wait3A_220 = arith.constant 56 : i32
    %dma_wait3A_221 = arith.constant 0 : i32
    %dma_wait3A_222 = tpu.memref_slice %arg9[%dma_wait3A_220, %dma_wait3A_221] : memref<64x129xf32, #tpu.memory_space<vmem>> -> memref<8x128xf32, #tpu.memory_space<vmem>>
    tpu.wait_dma2 semaphore(%arg14 : memref<!tpu.dma_semaphore, #tpu.memory_space<semaphore_mem>>) src(%dma_wait3A_222 : memref<8x128xf32, #tpu.memory_space<vmem>>) dst(%dma_wait3A_219 : memref<8x128xf32, #tpu.memory_space<hbm>>)
    %dma_wait3A_223 = arith.constant 0 : i32
    %dma_wait3A_224 = arith.constant 0 : i32
    %dma_wait3A_225 = arith.constant 0 : i32
    %dma_wait3A_226 = tpu.memref_slice %arg10[%dma_wait3A_224, %dma_wait3A_225] : memref<64x129xf32, #tpu.memory_space<vmem>> -> memref<8x128xf32, #tpu.memory_space<vmem>>
    %dma_wait3A_227 = arith.constant 0 : i32
    %dma_wait3A_228 = arith.constant 0 : i32
    %dma_wait3A_229 = tpu.memref_slice %arg5[%select_n3A_85, %dma_wait3A_223, %select_n3A_103, %dma_wait3A_227, %dma_wait3A_228] : memref<200x8x32x8x128xf32, #tpu.memory_space<hbm>> -> memref<1x1x1x8x128xf32, #tpu.memory_space<hbm>>
    %dma_wait3A_230 = tpu.memref_squeeze %dma_wait3A_229 : memref<1x1x1x8x128xf32, #tpu.memory_space<hbm>> -> memref<8x128xf32, #tpu.memory_space<hbm>>
    %dma_wait3A_231 = arith.constant 0 : i32
    %dma_wait3A_232 = arith.constant 0 : i32
    %dma_wait3A_233 = tpu.memref_slice %arg5[%select_n3A_85, %dma_wait3A_223, %select_n3A_103, %dma_wait3A_231, %dma_wait3A_232] : memref<200x8x32x8x128xf32, #tpu.memory_space<hbm>> -> memref<1x1x1x8x128xf32, #tpu.memory_space<hbm>>
    %dma_wait3A_234 = tpu.memref_squeeze %dma_wait3A_233 : memref<1x1x1x8x128xf32, #tpu.memory_space<hbm>> -> memref<8x128xf32, #tpu.memory_space<hbm>>
    %dma_wait3A_235 = arith.constant 0 : i32
    %dma_wait3A_236 = arith.constant 0 : i32
    %dma_wait3A_237 = tpu.memref_slice %arg10[%dma_wait3A_235, %dma_wait3A_236] : memref<64x129xf32, #tpu.memory_space<vmem>> -> memref<8x128xf32, #tpu.memory_space<vmem>>
    tpu.wait_dma2 semaphore(%arg15 : memref<!tpu.dma_semaphore, #tpu.memory_space<semaphore_mem>>) src(%dma_wait3A_237 : memref<8x128xf32, #tpu.memory_space<vmem>>) dst(%dma_wait3A_234 : memref<8x128xf32, #tpu.memory_space<hbm>>)
    %dma_wait3A_238 = arith.constant 1 : i32
    %dma_wait3A_239 = arith.constant 8 : i32
    %dma_wait3A_240 = arith.constant 0 : i32
    %dma_wait3A_241 = tpu.memref_slice %arg10[%dma_wait3A_239, %dma_wait3A_240] : memref<64x129xf32, #tpu.memory_space<vmem>> -> memref<8x128xf32, #tpu.memory_space<vmem>>
    %dma_wait3A_242 = arith.constant 0 : i32
    %dma_wait3A_243 = arith.constant 0 : i32
    %dma_wait3A_244 = tpu.memref_slice %arg5[%select_n3A_85, %dma_wait3A_238, %select_n3A_103, %dma_wait3A_242, %dma_wait3A_243] : memref<200x8x32x8x128xf32, #tpu.memory_space<hbm>> -> memref<1x1x1x8x128xf32, #tpu.memory_space<hbm>>
    %dma_wait3A_245 = tpu.memref_squeeze %dma_wait3A_244 : memref<1x1x1x8x128xf32, #tpu.memory_space<hbm>> -> memref<8x128xf32, #tpu.memory_space<hbm>>
    %dma_wait3A_246 = arith.constant 0 : i32
    %dma_wait3A_247 = arith.constant 0 : i32
    %dma_wait3A_248 = tpu.memref_slice %arg5[%select_n3A_85, %dma_wait3A_238, %select_n3A_103, %dma_wait3A_246, %dma_wait3A_247] : memref<200x8x32x8x128xf32, #tpu.memory_space<hbm>> -> memref<1x1x1x8x128xf32, #tpu.memory_space<hbm>>
    %dma_wait3A_249 = tpu.memref_squeeze %dma_wait3A_248 : memref<1x1x1x8x128xf32, #tpu.memory_space<hbm>> -> memref<8x128xf32, #tpu.memory_space<hbm>>
    %dma_wait3A_250 = arith.constant 8 : i32
    %dma_wait3A_251 = arith.constant 0 : i32
    %dma_wait3A_252 = tpu.memref_slice %arg10[%dma_wait3A_250, %dma_wait3A_251] : memref<64x129xf32, #tpu.memory_space<vmem>> -> memref<8x128xf32, #tpu.memory_space<vmem>>
    tpu.wait_dma2 semaphore(%arg15 : memref<!tpu.dma_semaphore, #tpu.memory_space<semaphore_mem>>) src(%dma_wait3A_252 : memref<8x128xf32, #tpu.memory_space<vmem>>) dst(%dma_wait3A_249 : memref<8x128xf32, #tpu.memory_space<hbm>>)
    %dma_wait3A_253 = arith.constant 2 : i32
    %dma_wait3A_254 = arith.constant 16 : i32
    %dma_wait3A_255 = arith.constant 0 : i32
    %dma_wait3A_256 = tpu.memref_slice %arg10[%dma_wait3A_254, %dma_wait3A_255] : memref<64x129xf32, #tpu.memory_space<vmem>> -> memref<8x128xf32, #tpu.memory_space<vmem>>
    %dma_wait3A_257 = arith.constant 0 : i32
    %dma_wait3A_258 = arith.constant 0 : i32
    %dma_wait3A_259 = tpu.memref_slice %arg5[%select_n3A_85, %dma_wait3A_253, %select_n3A_103, %dma_wait3A_257, %dma_wait3A_258] : memref<200x8x32x8x128xf32, #tpu.memory_space<hbm>> -> memref<1x1x1x8x128xf32, #tpu.memory_space<hbm>>
    %dma_wait3A_260 = tpu.memref_squeeze %dma_wait3A_259 : memref<1x1x1x8x128xf32, #tpu.memory_space<hbm>> -> memref<8x128xf32, #tpu.memory_space<hbm>>
    %dma_wait3A_261 = arith.constant 0 : i32
    %dma_wait3A_262 = arith.constant 0 : i32
    %dma_wait3A_263 = tpu.memref_slice %arg5[%select_n3A_85, %dma_wait3A_253, %select_n3A_103, %dma_wait3A_261, %dma_wait3A_262] : memref<200x8x32x8x128xf32, #tpu.memory_space<hbm>> -> memref<1x1x1x8x128xf32, #tpu.memory_space<hbm>>
    %dma_wait3A_264 = tpu.memref_squeeze %dma_wait3A_263 : memref<1x1x1x8x128xf32, #tpu.memory_space<hbm>> -> memref<8x128xf32, #tpu.memory_space<hbm>>
    %dma_wait3A_265 = arith.constant 16 : i32
    %dma_wait3A_266 = arith.constant 0 : i32
    %dma_wait3A_267 = tpu.memref_slice %arg10[%dma_wait3A_265, %dma_wait3A_266] : memref<64x129xf32, #tpu.memory_space<vmem>> -> memref<8x128xf32, #tpu.memory_space<vmem>>
    tpu.wait_dma2 semaphore(%arg15 : memref<!tpu.dma_semaphore, #tpu.memory_space<semaphore_mem>>) src(%dma_wait3A_267 : memref<8x128xf32, #tpu.memory_space<vmem>>) dst(%dma_wait3A_264 : memref<8x128xf32, #tpu.memory_space<hbm>>)
    %dma_wait3A_268 = arith.constant 3 : i32
    %dma_wait3A_269 = arith.constant 24 : i32
    %dma_wait3A_270 = arith.constant 0 : i32
    %dma_wait3A_271 = tpu.memref_slice %arg10[%dma_wait3A_269, %dma_wait3A_270] : memref<64x129xf32, #tpu.memory_space<vmem>> -> memref<8x128xf32, #tpu.memory_space<vmem>>
    %dma_wait3A_272 = arith.constant 0 : i32
    %dma_wait3A_273 = arith.constant 0 : i32
    %dma_wait3A_274 = tpu.memref_slice %arg5[%select_n3A_85, %dma_wait3A_268, %select_n3A_103, %dma_wait3A_272, %dma_wait3A_273] : memref<200x8x32x8x128xf32, #tpu.memory_space<hbm>> -> memref<1x1x1x8x128xf32, #tpu.memory_space<hbm>>
    %dma_wait3A_275 = tpu.memref_squeeze %dma_wait3A_274 : memref<1x1x1x8x128xf32, #tpu.memory_space<hbm>> -> memref<8x128xf32, #tpu.memory_space<hbm>>
    %dma_wait3A_276 = arith.constant 0 : i32
    %dma_wait3A_277 = arith.constant 0 : i32
    %dma_wait3A_278 = tpu.memref_slice %arg5[%select_n3A_85, %dma_wait3A_268, %select_n3A_103, %dma_wait3A_276, %dma_wait3A_277] : memref<200x8x32x8x128xf32, #tpu.memory_space<hbm>> -> memref<1x1x1x8x128xf32, #tpu.memory_space<hbm>>
    %dma_wait3A_279 = tpu.memref_squeeze %dma_wait3A_278 : memref<1x1x1x8x128xf32, #tpu.memory_space<hbm>> -> memref<8x128xf32, #tpu.memory_space<hbm>>
    %dma_wait3A_280 = arith.constant 24 : i32
    %dma_wait3A_281 = arith.constant 0 : i32
    %dma_wait3A_282 = tpu.memref_slice %arg10[%dma_wait3A_280, %dma_wait3A_281] : memref<64x129xf32, #tpu.memory_space<vmem>> -> memref<8x128xf32, #tpu.memory_space<vmem>>
    tpu.wait_dma2 semaphore(%arg15 : memref<!tpu.dma_semaphore, #tpu.memory_space<semaphore_mem>>) src(%dma_wait3A_282 : memref<8x128xf32, #tpu.memory_space<vmem>>) dst(%dma_wait3A_279 : memref<8x128xf32, #tpu.memory_space<hbm>>)
    %dma_wait3A_283 = arith.constant 4 : i32
    %dma_wait3A_284 = arith.constant 32 : i32
    %dma_wait3A_285 = arith.constant 0 : i32
    %dma_wait3A_286 = tpu.memref_slice %arg10[%dma_wait3A_284, %dma_wait3A_285] : memref<64x129xf32, #tpu.memory_space<vmem>> -> memref<8x128xf32, #tpu.memory_space<vmem>>
    %dma_wait3A_287 = arith.constant 0 : i32
    %dma_wait3A_288 = arith.constant 0 : i32
    %dma_wait3A_289 = tpu.memref_slice %arg5[%select_n3A_85, %dma_wait3A_283, %select_n3A_103, %dma_wait3A_287, %dma_wait3A_288] : memref<200x8x32x8x128xf32, #tpu.memory_space<hbm>> -> memref<1x1x1x8x128xf32, #tpu.memory_space<hbm>>
    %dma_wait3A_290 = tpu.memref_squeeze %dma_wait3A_289 : memref<1x1x1x8x128xf32, #tpu.memory_space<hbm>> -> memref<8x128xf32, #tpu.memory_space<hbm>>
    %dma_wait3A_291 = arith.constant 0 : i32
    %dma_wait3A_292 = arith.constant 0 : i32
    %dma_wait3A_293 = tpu.memref_slice %arg5[%select_n3A_85, %dma_wait3A_283, %select_n3A_103, %dma_wait3A_291, %dma_wait3A_292] : memref<200x8x32x8x128xf32, #tpu.memory_space<hbm>> -> memref<1x1x1x8x128xf32, #tpu.memory_space<hbm>>
    %dma_wait3A_294 = tpu.memref_squeeze %dma_wait3A_293 : memref<1x1x1x8x128xf32, #tpu.memory_space<hbm>> -> memref<8x128xf32, #tpu.memory_space<hbm>>
    %dma_wait3A_295 = arith.constant 32 : i32
    %dma_wait3A_296 = arith.constant 0 : i32
    %dma_wait3A_297 = tpu.memref_slice %arg10[%dma_wait3A_295, %dma_wait3A_296] : memref<64x129xf32, #tpu.memory_space<vmem>> -> memref<8x128xf32, #tpu.memory_space<vmem>>
    tpu.wait_dma2 semaphore(%arg15 : memref<!tpu.dma_semaphore, #tpu.memory_space<semaphore_mem>>) src(%dma_wait3A_297 : memref<8x128xf32, #tpu.memory_space<vmem>>) dst(%dma_wait3A_294 : memref<8x128xf32, #tpu.memory_space<hbm>>)
    %dma_wait3A_298 = arith.constant 5 : i32
    %dma_wait3A_299 = arith.constant 40 : i32
    %dma_wait3A_300 = arith.constant 0 : i32
    %dma_wait3A_301 = tpu.memref_slice %arg10[%dma_wait3A_299, %dma_wait3A_300] : memref<64x129xf32, #tpu.memory_space<vmem>> -> memref<8x128xf32, #tpu.memory_space<vmem>>
    %dma_wait3A_302 = arith.constant 0 : i32
    %dma_wait3A_303 = arith.constant 0 : i32
    %dma_wait3A_304 = tpu.memref_slice %arg5[%select_n3A_85, %dma_wait3A_298, %select_n3A_103, %dma_wait3A_302, %dma_wait3A_303] : memref<200x8x32x8x128xf32, #tpu.memory_space<hbm>> -> memref<1x1x1x8x128xf32, #tpu.memory_space<hbm>>
    %dma_wait3A_305 = tpu.memref_squeeze %dma_wait3A_304 : memref<1x1x1x8x128xf32, #tpu.memory_space<hbm>> -> memref<8x128xf32, #tpu.memory_space<hbm>>
    %dma_wait3A_306 = arith.constant 0 : i32
    %dma_wait3A_307 = arith.constant 0 : i32
    %dma_wait3A_308 = tpu.memref_slice %arg5[%select_n3A_85, %dma_wait3A_298, %select_n3A_103, %dma_wait3A_306, %dma_wait3A_307] : memref<200x8x32x8x128xf32, #tpu.memory_space<hbm>> -> memref<1x1x1x8x128xf32, #tpu.memory_space<hbm>>
    %dma_wait3A_309 = tpu.memref_squeeze %dma_wait3A_308 : memref<1x1x1x8x128xf32, #tpu.memory_space<hbm>> -> memref<8x128xf32, #tpu.memory_space<hbm>>
    %dma_wait3A_310 = arith.constant 40 : i32
    %dma_wait3A_311 = arith.constant 0 : i32
    %dma_wait3A_312 = tpu.memref_slice %arg10[%dma_wait3A_310, %dma_wait3A_311] : memref<64x129xf32, #tpu.memory_space<vmem>> -> memref<8x128xf32, #tpu.memory_space<vmem>>
    tpu.wait_dma2 semaphore(%arg15 : memref<!tpu.dma_semaphore, #tpu.memory_space<semaphore_mem>>) src(%dma_wait3A_312 : memref<8x128xf32, #tpu.memory_space<vmem>>) dst(%dma_wait3A_309 : memref<8x128xf32, #tpu.memory_space<hbm>>)
    %dma_wait3A_313 = arith.constant 6 : i32
    %dma_wait3A_314 = arith.constant 48 : i32
    %dma_wait3A_315 = arith.constant 0 : i32
    %dma_wait3A_316 = tpu.memref_slice %arg10[%dma_wait3A_314, %dma_wait3A_315] : memref<64x129xf32, #tpu.memory_space<vmem>> -> memref<8x128xf32, #tpu.memory_space<vmem>>
    %dma_wait3A_317 = arith.constant 0 : i32
    %dma_wait3A_318 = arith.constant 0 : i32
    %dma_wait3A_319 = tpu.memref_slice %arg5[%select_n3A_85, %dma_wait3A_313, %select_n3A_103, %dma_wait3A_317, %dma_wait3A_318] : memref<200x8x32x8x128xf32, #tpu.memory_space<hbm>> -> memref<1x1x1x8x128xf32, #tpu.memory_space<hbm>>
    %dma_wait3A_320 = tpu.memref_squeeze %dma_wait3A_319 : memref<1x1x1x8x128xf32, #tpu.memory_space<hbm>> -> memref<8x128xf32, #tpu.memory_space<hbm>>
    %dma_wait3A_321 = arith.constant 0 : i32
    %dma_wait3A_322 = arith.constant 0 : i32
    %dma_wait3A_323 = tpu.memref_slice %arg5[%select_n3A_85, %dma_wait3A_313, %select_n3A_103, %dma_wait3A_321, %dma_wait3A_322] : memref<200x8x32x8x128xf32, #tpu.memory_space<hbm>> -> memref<1x1x1x8x128xf32, #tpu.memory_space<hbm>>
    %dma_wait3A_324 = tpu.memref_squeeze %dma_wait3A_323 : memref<1x1x1x8x128xf32, #tpu.memory_space<hbm>> -> memref<8x128xf32, #tpu.memory_space<hbm>>
    %dma_wait3A_325 = arith.constant 48 : i32
    %dma_wait3A_326 = arith.constant 0 : i32
    %dma_wait3A_327 = tpu.memref_slice %arg10[%dma_wait3A_325, %dma_wait3A_326] : memref<64x129xf32, #tpu.memory_space<vmem>> -> memref<8x128xf32, #tpu.memory_space<vmem>>
    tpu.wait_dma2 semaphore(%arg15 : memref<!tpu.dma_semaphore, #tpu.memory_space<semaphore_mem>>) src(%dma_wait3A_327 : memref<8x128xf32, #tpu.memory_space<vmem>>) dst(%dma_wait3A_324 : memref<8x128xf32, #tpu.memory_space<hbm>>)
    %dma_wait3A_328 = arith.constant 7 : i32
    %dma_wait3A_329 = arith.constant 56 : i32
    %dma_wait3A_330 = arith.constant 0 : i32
    %dma_wait3A_331 = tpu.memref_slice %arg10[%dma_wait3A_329, %dma_wait3A_330] : memref<64x129xf32, #tpu.memory_space<vmem>> -> memref<8x128xf32, #tpu.memory_space<vmem>>
    %dma_wait3A_332 = arith.constant 0 : i32
    %dma_wait3A_333 = arith.constant 0 : i32
    %dma_wait3A_334 = tpu.memref_slice %arg5[%select_n3A_85, %dma_wait3A_328, %select_n3A_103, %dma_wait3A_332, %dma_wait3A_333] : memref<200x8x32x8x128xf32, #tpu.memory_space<hbm>> -> memref<1x1x1x8x128xf32, #tpu.memory_space<hbm>>
    %dma_wait3A_335 = tpu.memref_squeeze %dma_wait3A_334 : memref<1x1x1x8x128xf32, #tpu.memory_space<hbm>> -> memref<8x128xf32, #tpu.memory_space<hbm>>
    %dma_wait3A_336 = arith.constant 0 : i32
    %dma_wait3A_337 = arith.constant 0 : i32
    %dma_wait3A_338 = tpu.memref_slice %arg5[%select_n3A_85, %dma_wait3A_328, %select_n3A_103, %dma_wait3A_336, %dma_wait3A_337] : memref<200x8x32x8x128xf32, #tpu.memory_space<hbm>> -> memref<1x1x1x8x128xf32, #tpu.memory_space<hbm>>
    %dma_wait3A_339 = tpu.memref_squeeze %dma_wait3A_338 : memref<1x1x1x8x128xf32, #tpu.memory_space<hbm>> -> memref<8x128xf32, #tpu.memory_space<hbm>>
    %dma_wait3A_340 = arith.constant 56 : i32
    %dma_wait3A_341 = arith.constant 0 : i32
    %dma_wait3A_342 = tpu.memref_slice %arg10[%dma_wait3A_340, %dma_wait3A_341] : memref<64x129xf32, #tpu.memory_space<vmem>> -> memref<8x128xf32, #tpu.memory_space<vmem>>
    tpu.wait_dma2 semaphore(%arg15 : memref<!tpu.dma_semaphore, #tpu.memory_space<semaphore_mem>>) src(%dma_wait3A_342 : memref<8x128xf32, #tpu.memory_space<vmem>>) dst(%dma_wait3A_339 : memref<8x128xf32, #tpu.memory_space<hbm>>)
    return
  }
}

</mosaic_0001>

<sc_bundles>
// kernel: kernel.3.cloned.1.call-start
scs
__scs_entry_jumppad:
0x0: {  	(pc) =	sbr.rel $0x88, $3  }
0x1: {  	(tag) =	ssettag $0x0;
	lr =	simm.s32 $0x1  }
0x2: {  	[smem:$0x3F9E] =	sst lr;
	_ =	strace $0xD0000000  }
0x3: {  	_ = 	snop  }
0x4: {  	_ = 	snop  }
0x5: {  	_ = 	snop  }
0x6: {  	_ = 	snop  }
0x7: {  	_ = 	snop  }
__scs_overlays_trampoline_lowered:
0x8: {  	[smem:$0x3FAD] =	sst s0  }
0x9: {  	[smem:$0x3FAE] =	sst s1  }
0xa: {  	[smem:$0x3FAF] =	sst s2  }
0xb: {  	[smem:$0x3FB0] =	sst s3  }
0xc: {  	[smem:$0x3FB1] =	sst s4  }
0xd: {  	[smem:$0x3FB2] =	sst s5  }
0xe: {  	[smem:$0x3FB3] =	sst s6  }
0xf: {  	[smem:$0x3FB4] =	sst s7  }
0x10: {  	[smem:$0x3FB5] =	sst s8  }
0x11: {  	[smem:$0x3FB6] =	sst s9;
	s0 =	simm.s32 @!p0 $0x0  }
0x12: {  	s1 =	sld [smem:$0x3F9C];
	s0 =	simm.s32 @p0 $0x1  }
0x13: {  	[smem:$0x3FB7] =	sst s0;
	s0 =	simm.s32 @!p1 $0x0  }
0x14: {  	s2 =	sld [smem:$0x3F9B];
	s0 =	simm.s32 @p1 $0x1  }
0x15: {  	[smem:$0x3FB8] =	sst s0;
	s0 =	simm.s32 @!p2 $0x0  }
0x16: {  	s3 =	sld [smem:$0x3FDB];
	s0 =	simm.s32 @p2 $0x1  }
0x17: {  	s4 =	simm.s32 $0x1BF5;
	[smem:$0x3FBA] =	sst s0  }
0x18: {  	s0 =	sld [smem:$0x3F9D];
	_ =	swait.ge [sflag:s4], $0x0  }
0x19: {  	s7 =	sld [smem:$0x3F9E]  }
0x1a: {  	s8 =	sadd.s32 $0xFFFFE003, lr  }
0x1b: {  	s9 =	sadd.s32 $0xFFFFFEF7, lr;
	s5 =	simm.s32 $0xFFFFFFFF;
	p2 =	slt.u32 s8, $0xFFFFF086  }
0x1c: {  	p1 =	slt.u32 s9, $0xF7A;
	s5 =	simm.s32 @!p2 $0x0  }
0x1d: {  	s5 =	simm.s32 @p1 $0x1;
	p0 =	seq.s32 s7, s2  }
0x1e: {  	s7 =	smul.u32 @!p0 $0xF7A, s2;
	p2 =	seq.s32 @!p0 s5, $0x0  }
0x1f: {  	s9 =	smul.u32 $0xF7A, s1;
	s8 =	simm.s32 @!p0 $0x1BF5;
	p2 =	por !p2, p0  }
0x20: {  	[sflag:s8] =	ssyncset.s32 @!p0 $0xFFFFF086;
	s6 =	sadd.s32 @!p0 s3, s7;
	s7 =	simm.s32 @!p0 $0x108  }
0x21: {  	s3 =	sadd.s32 s3, s9;
	s6 =	sadd.s32 @!p0 $0x88, s6;
	s7 =	simm.s32 @p2 $0x1082  }
0x22: {  	[simem:s7], [sflag:s8] =	dma.local @!p0 [hbm:s6], $0xF7A  }
0x23: {  	s9 =	sor.u32 $0xD0000000, s2;
	s6 =	simm.s32 $0x108;
	_ =	swait.ge @!p0 [sflag:s8], $0x0  }
0x24: {  	s3 =	sadd.s32 $0x88, s3;
	s6 =	simm.s32 @!p1 $0x1082;
	[sflag:s4] =	ssyncset.s32 $0xFFFFF086  }
0x25: {  	[simem:s6], [sflag:s4] =	dma.local [hbm:s3], $0xF7A  }
0x26: {  	[smem:$0x3F9E] =	sst s1;
	(tag) =	ssettag s2;
	_ =	strace s9  }
0x27: {  	s1 =	sld [smem:$0x3FAE]  }
0x28: {  	s2 =	sld [smem:$0x3FAF]  }
0x29: {  	s4 =	sld [smem:$0x3FB1]  }
0x2a: {  	p0 =	seq.s32 s5, $0x0;
	s5 =	sld [smem:$0x3FB2]  }
0x2b: {  	s6 =	sld [smem:$0x3FB3]  }
0x2c: {  	s7 =	sld [smem:$0x3FB4]  }
0x2d: {  	s3 =	simm.s32 $0x108;
	s8 =	sld [smem:$0x3FB5]  }
0x2e: {  	s3 =	simm.s32 @!p0 $0x1082;
	s9 =	sld [smem:$0x3FB6]  }
0x2f: {  	lr =	sadd.s32 s0, s3;
	s0 =	sld [smem:$0x3FAD]  }
0x30: {  	s3 =	sld [smem:$0x3FB0]  }
0x31: {  	[smem:$0x3FB9] =	sst s10  }
0x32: {  	s10 =	sld [smem:$0x3FB7];
	_ =	sdelay $0x3  }
0x33: {  	p0 =	seq.s32 s10, $0x1;
	s10 =	sld [smem:$0x3FB9];
	_ =	sdelay $0x3  }
0x34: {  	[smem:$0x3FB9] =	sst s10  }
0x35: {  	s10 =	sld [smem:$0x3FB8];
	_ =	sdelay $0x3  }
0x36: {  	p1 =	seq.s32 s10, $0x1;
	s10 =	sld [smem:$0x3FB9];
	_ =	sdelay $0x3  }
0x37: {  	[smem:$0x3FB9] =	sst s10  }
0x38: {  	s10 =	sld [smem:$0x3FBA]  }
0x39: {  	_ = 	snop;
	(pc) =	sbr.ind lr, $3  }
0x3a: {  	_ = 	snop  }
0x3b: {  	_ = 	snop  }
0x3c: {  	p2 =	seq.s32 s10, $0x1;
	s10 =	sld [smem:$0x3FB9]  }
0x3d: {  	_ =	shalt  }
0x3e: {  	_ =	shalt  }
0x3f: {  	_ =	shalt  }
0x40: {  	_ =	shalt  }
0x41: {  	_ =	shalt  }
0x42: {  	_ =	shalt  }
0x43: {  	_ =	shalt  }
0x44: {  	_ =	shalt  }
0x45: {  	_ =	shalt  }
0x46: {  	_ =	shalt  }
0x47: {  	_ =	shalt  }
0x48: {  	_ =	shalt  }
0x49: {  	_ =	shalt  }
0x4a: {  	_ =	shalt  }
0x4b: {  	_ =	shalt  }
0x4c: {  	_ =	shalt  }
0x4d: {  	_ =	shalt  }
0x4e: {  	_ =	shalt  }
0x4f: {  	_ =	shalt  }
0x50: {  	_ =	shalt  }
0x51: {  	_ =	shalt  }
0x52: {  	_ =	shalt  }
0x53: {  	_ =	shalt  }
0x54: {  	_ =	shalt  }
0x55: {  	_ =	shalt  }
0x56: {  	_ =	shalt  }
0x57: {  	_ =	shalt  }
0x58: {  	_ =	shalt  }
0x59: {  	_ =	shalt  }
0x5a: {  	_ =	shalt  }
0x5b: {  	_ =	shalt  }
0x5c: {  	_ =	shalt  }
0x5d: {  	_ =	shalt  }
0x5e: {  	_ =	shalt  }
0x5f: {  	_ =	shalt  }
0x60: {  	_ =	shalt  }
0x61: {  	_ =	shalt  }
0x62: {  	_ =	shalt  }
0x63: {  	_ =	shalt  }
0x64: {  	_ =	shalt  }
0x65: {  	_ =	shalt  }
0x66: {  	_ =	shalt  }
0x67: {  	_ =	shalt  }
0x68: {  	_ =	shalt  }
0x69: {  	_ =	shalt  }
0x6a: {  	_ =	shalt  }
0x6b: {  	_ =	shalt  }
0x6c: {  	_ =	shalt  }
0x6d: {  	_ =	shalt  }
0x6e: {  	_ =	shalt  }
0x6f: {  	_ =	shalt  }
0x70: {  	_ =	shalt  }
0x71: {  	_ =	shalt  }
0x72: {  	_ =	shalt  }
0x73: {  	_ =	shalt  }
0x74: {  	_ =	shalt  }
0x75: {  	_ =	shalt  }
0x76: {  	_ =	shalt  }
0x77: {  	_ =	shalt  }
0x78: {  	_ =	shalt  }
0x79: {  	_ =	shalt  }
0x7a: {  	_ =	shalt  }
0x7b: {  	_ =	shalt  }
0x7c: {  	_ =	shalt  }
0x7d: {  	_ =	shalt  }
0x7e: {  	_ =	shalt  }
0x7f: {  	_ =	shalt  }
0x80: {  	_ =	shalt  }
0x81: {  	_ =	shalt  }
0x82: {  	_ =	shalt  }
0x83: {  	_ =	shalt  }
0x84: {  	_ =	shalt  }
0x85: {  	_ =	shalt  }
0x86: {  	_ =	shalt  }
0x87: {  	_ =	shalt  }
.Lfunc_end0:
.L_simem_size_0:
called_computation_lowered:
.L_overlay_start_0:
0x88: {  	s2 =	sld [smem:$0x3FD9]  }
0x89: {  	s3 =	sld [smem:$0x3FFE];
	_ =	sdelay $0x1  }
0x8a: {  	s1 =	srdreg.scid  }
0x8b: {  	s0 =	sand.u32 $0x1, s1  }
0x8c: {  	s17 =	sshll.u32 s0, $0xA;
	s2 =	sadd.s32 s3, s2  }
0x8d: {  	s2 =	sadd.s32 s2, s17  }
0x8e: {  	[smem:$0x3FC5] =	sst s2  }
0x8f: {  	_ = 	snop  }
0x90: {  	s2 =	sld [smem:$0x3FD0];
	(tm) =	ssettm $0x1  }
0x91: {  	s18 =	sld [smem:$0x3FFB];
	_ =	sdelay $0x3  }
0x92: {  	_ =	strace s18  }
0x93: {  	s3 =	sld [smem:$0x3FFC];
	_ =	sdelay $0x3  }
0x94: {  	_ =	strace s3  }
0x95: {  	s3 =	sld [smem:$0x3FFD];
	_ =	sdelay $0x3  }
0x96: {  	_ =	strace s3  }
0x97: {  	_ =	strace $0x8FFFFFFF  }
0x98: {  	s19 =	sld [smem:$0x3FDB];
	_ =	sdelay $0x1  }
0x99: {  	s4 =	simm.s32 $_scs_section_size  }
0x9a: {  	s5 =	simm.s32 $_size__tile_overlayer_lowered;
	s6 =	simm.s32 $_tile_overlayer_lowered  }
0x9b: {  	s22 =	simm.s32 $0x1BFF;
	s21 =	sshll.u32 s6, $0x1;
	s3 =	sadd.s32 s4, s19  }
0x9c: {  	s7 =	simm.s32 $0x0;
	s20 =	sshll.u32 s5, $0x1;
	s5 =	sadd.s32 s21, s3  }
0x9d: {  	[timem:s7], [sflag:s22] =	dma.local [hbm:s5], s20  }
0x9e: {  	_ =	swait.ge [sflag:s22], s20  }
0x9f: {  	s4 =	ssub.s32 $0x0, s20;
	[sflag:s22] =	ssyncset.done $0x0  }
0xa0: {  	[sflag:s22] =	ssyncadd.s32 s4;
	_ =	sdelay $0x1  }
0xa1: {  	s23 =	simm.s32 $0x1B8B  }
0xa2: {  	_ =	swait.ge [sflag:s23], $0x1  }
0xa3: {  	[sflag:s23] =	ssyncset.done $0x0  }
0xa4: {  	s25 =	simm.s32 $0x1B8E;
	s24 =	sld [smem:$0x3FFE];
	[sflag:s23] =	ssyncadd.s32 $0xFFFFFFFF  }
0xa5: {  	s26 =	simm.s32 $execute0_lowered;
	[smem:$0x3FD2] =	sst s25  }
0xa6: {  	s5 =	sshll.u32 s26, $0x1;
	_ =	strace $0x80000046;
	[dreg:$0x1] =	wrdreg $0xFFFFFFFF  }
0xa7: {  	s28 =	simm.s32 $_size_execute0_lowered;
	s3 =	sadd.s32 s3, s5;
	[dreg:$0x0] =	wrdreg $0x0  }
0xa8: {  	s5 =	sshll.u32 s28, $0x1;
	[dreg:$0x2] =	wrdreg s3  }
0xa9: {  	[dreg:$0x3] =	wrdreg s5  }
0xaa: {  	[dreg:$0x4] =	wrdreg $0xC0  }
0xab: {  	_ =	task [dreg:s7], $0x5FFFF  }
0xac: {  	[dreg:$0x1] =	wrdreg $0xFFFFFFFF  }
0xad: {  	[dreg:$0x0] =	wrdreg $0x60  }
0xae: {  	[dreg:$0x2] =	wrdreg s24  }
0xaf: {  	[dreg:$0x3] =	wrdreg s2  }
0xb0: {  	[dreg:$0x4] =	wrdreg $0x9  }
0xb1: {  	_ =	task.clear_ibuf [dreg:s7], $0x5FFFF;
	_ =	strace $0x90000046  }
0xb2: {  	s29 =	simm.s32 $0x9;
	_ =	strace $0x80000048  }
0xb3: {  	_ =	swait.ge [sflag:s29], $0x1  }
0xb4: {  	[sflag:s29] =	ssyncadd.s32 $0xFFFFFFFF  }
0xb5: {  	_ =	strace $0x90000048  }
0xb6: {  	_ =	sfence  }
0xb7: {  	s30 =	sld [smem:$0x0];
	_ =	sdelay $0x2  }
0xb8: {  	s31 =	sshll.u32 s1, $0xD;
	s1 =	sshrl.u32 s1, $0x2  }
0xb9: {  	s3 =	sand.u32 $0x4000, s31;
	s1 =	sadd.s32 s1, s30  }
0xba: {  	s0 =	sor.u32 s3, s0;
	s1 =	sshll.u32 s1, $0x11  }
0xbb: {  	s0 =	sor.u32 s1, s0  }
0xbc: {  	s0 =	sadd.s32 $0x8F2B, s0  }
0xbd: {  	[sflag:s0] =	ssyncadd.remote.s32 $0x1  }
0xbe: {  	_ =	sfence.sel $0xFFFF  }
0xbf: {  	[dreg:$0x0] =	wrdreg $0xFFFFFFFF;
	(pc) =	sbr.abs _section_cstart, $3  }
0xc0: {  	[dreg:$0x1] =	wrdreg $0xFFFFFFFF  }
0xc1: {  	_ =	task.clear_ibuf [dreg:s7], $0x2FFFF;
	_ =	strace $0x9FFFFFFF  }
0xc2: {  	(tm) =	ssettm $0x7FFFFFFF  }
0xc3: {  	_ =	shalt  }
tec
execute0_lowered:
.L_overlay_start_1:
0x0: {  	(tag) =	ssettag $0x1  }
0x1: {  	s0 =	rddreg [dreg:$0x0];
	s1 =	srdreg.scid  }
0x2: {  	s3 =	stileid.u32;
	s2 =	rddreg [dreg:$0x1];
	s18 =	simm.s32 $0x80  }
0x3: {  	s21 =	simm.s32 $0x1;
	s22 =	simm.s32 $0xA400;
	s15 =	simm.s32 $0x4  }
0x4: {  	s17 =	simm.s32 $0xC600;
	s24 =	simm.s32 $0xE5E0;
	s25 =	simm.s32 $0xE668  }
0x5: {  	s26 =	simm.s32 $0xE6F0;
	s28 =	simm.s32 $0xE778;
	s1 =	sand.u32 $0x1, s1  }
0x6: {  	s4 =	sshll.u32 s3, $0x1;
	s3 =	simm.s32 $0x0;
	s8 =	sadd.s32 $0x1000, s2  }
0x7: {  	s9 =	sadd.s32 $0x2000, s2;
	s10 =	sadd.s32 $0x3000, s2;
	s11 =	sadd.s32 $0x4000, s2  }
0x8: {  	s12 =	sadd.s32 $0x5000, s2;
	s13 =	sadd.s32 $0x6000, s2;
	s5 =	sor.u32 s1, s4  }
0x9: {  	[smem:$0x7FF] =	sst s3;
	s1 =	ssub.s32 $0x2, s1;
	s4 =	smul.u32 $0xC80, s5  }
0xa: {  	s14 =	sadd.s32 $0x7000, s2;
	_ =	strace $0x80000047;
	s6 =	sshrl.u32 s1, $0x1  }
0xb: {  	v0 =	vlaneseq.u32;
	s7 =	sadd.s32 s4, s0;
	s4 =	sadd.s32 $0xF42C00, s0;
	s0 =	sadd.s32 $0x19800, s0  }
0xc: {  	v0 =	vmul.u32 $0x88, v0;
	s30 =	ssub.s32 s1, s6;
	[dreg:$0x3] =	wrdreg s0;
	s31 =	sadd.s32 $0x800, s7  }
0xd: {  	s6 =	smul.u32 $0xC8, s5;
	s0 =	smax.u32 s30, $0x1;
	[dreg:$0x4] =	wrdreg s31  }
0xe: {  	v1 =	vadd.s32 $0x880, v0;
	v2 =	vadd.s32 $0x1100, v0;
	v3 =	vadd.s32 $0x1980, v0;
	s1 =	simm.s32 $0x0;
	s7 =	simm.s32 $0x2;
	[dreg:$0x5] =	wrdreg s0  }
.LBB2_1:
0xf: {  	[dreg:$0x6] =	wrdreg s1  }
0x10: {  	s0 =	rddreg [dreg:$0x3];
	s20 =	simm.s32 $0xE800;
	s23 =	simm.s32 $0x5  }
0x11: {  	[tilespmem:s20], [sflag:$0x5] =	stream.linear.gather [hbm4b:s0+s3], $0x3200, $0x38;
	[tilespmem:$0x11A00] =	vst v63  }
0x12: {  	_ =	swait.ge [sflag:s23], $0x3200  }
0x13: {  	[sflag:s23] =	ssyncset.done $0x0  }
0x14: {  	s30 =	rddreg [dreg:$0x4];
	[sflag:s23] =	ssyncadd.s32 $0xFFFFCE00  }
0x15: {  	[tilespmem:s3], [sflag:$0x5] =	stream.linear.gather [hbm4b:s30+s3], $0x6400, $0x38;
	[tilespmem:$0x11A00] =	vst v63  }
0x16: {  	_ =	swait.ge [sflag:s23], $0x6400  }
0x17: {  	[sflag:s23] =	ssyncset.done $0x0  }
0x18: {  	s31 =	simm.s32 $0x6400;
	s29 =	simm.s32 $0x0;
	[sflag:s23] =	ssyncadd.s32 $0xFFFF9C00  }
0x19: {  	[tilespmem:s31], [sflag:$0x1] =	stream.indirect.gather [hbm4b:s4+s18], $0x40, s3, s18, $0xb8;
	[tilespmem:$0x11A00] =	vst v63  }
.LBB2_2:
0x1a: {  	s5 =	sshllo.u32 s29, $0x1  }
0x1b: {  	s0 =	sshll.u32 s5, $0x7  }
0x1c: {  	s1 =	simm.s32 $0x8400;
	s0 =	sand.u32 $0x3FFFFF80, s0  }
0x1d: {  	[tilespmem:s1], [sflag:$0x2] =	stream.indirect.gather [hbm4b:s4+s18], $0x40, s0, s18, $0xb8;
	[tilespmem:$0x11A00] =	vst v63  }
0x1e: {  	_ =	swait.ge [sflag:s21], $0x2000  }
0x1f: {  	p0 =	seq.s32 s29, $0x0;
	[sflag:s21] =	ssyncset.done $0x0  }
0x20: {  	s16 =	simm.s32 @!p0 $0x3;
	[sflag:s21] =	ssyncadd.s32 $0xFFFFE000  }
0x21: {  	_ =	swait.ge @!p0 [sflag:s16], $0x400  }
0x22: {  	[sflag:s16] =	ssyncset.done @!p0 $0x0  }
0x23: {  	[sflag:s16] =	ssyncadd.s32 @!p0 $0xFFFFFC00  }
0x24: {  	_ =	swait.ge @!p0 [sflag:s16], $0x400  }
0x25: {  	[sflag:s16] =	ssyncset.done @!p0 $0x0  }
0x26: {  	[sflag:s16] =	ssyncadd.s32 @!p0 $0xFFFFFC00  }
0x27: {  	_ =	swait.ge @!p0 [sflag:s16], $0x400  }
0x28: {  	[sflag:s16] =	ssyncset.done @!p0 $0x0  }
0x29: {  	[sflag:s16] =	ssyncadd.s32 @!p0 $0xFFFFFC00  }
0x2a: {  	_ =	swait.ge @!p0 [sflag:s16], $0x400  }
0x2b: {  	[sflag:s16] =	ssyncset.done @!p0 $0x0  }
0x2c: {  	[sflag:s16] =	ssyncadd.s32 @!p0 $0xFFFFFC00  }
0x2d: {  	_ =	swait.ge @!p0 [sflag:s16], $0x400  }
0x2e: {  	[sflag:s16] =	ssyncset.done @!p0 $0x0  }
0x2f: {  	[sflag:s16] =	ssyncadd.s32 @!p0 $0xFFFFFC00  }
0x30: {  	_ =	swait.ge @!p0 [sflag:s16], $0x400  }
0x31: {  	[sflag:s16] =	ssyncset.done @!p0 $0x0  }
0x32: {  	[sflag:s16] =	ssyncadd.s32 @!p0 $0xFFFFFC00  }
0x33: {  	_ =	swait.ge @!p0 [sflag:s16], $0x400  }
0x34: {  	s20 =	sshll.u32 s29, $0x1;
	[sflag:s16] =	ssyncset.done @!p0 $0x0  }
0x35: {  	s0 =	sadd.s32 s6, s20;
	[sflag:s16] =	ssyncadd.s32 @!p0 $0xFFFFFC00  }
0x36: {  	s1 =	sshrl.u32 s0, $0x5;
	_ =	swait.ge @!p0 [sflag:s16], $0x400  }
0x37: {  	s19 =	sshll.u32 s1, $0x6;
	[sflag:s16] =	ssyncset.done @!p0 $0x0  }
0x38: {  	[sflag:s16] =	ssyncadd.s32 @!p0 $0xFFFFFC00;
	s16 =	sand.u32 $0x3FFFFFC0, s19  }
0x39: {  	s31 =	simm.s32 $0x6480;
	s23 =	simm.s32 $0x3;
	v9 =	vld [tilespmem:s16+$0xE800]  }
0x3a: {  	v4 =	vmov s23;
	v7 =	vld [tilespmem:s31+$0x40]  }
0x3b: {  	v13 =	vand.u32 $0x7F, v4  }
0x3c: {  	s20 =	simm.s32 $0x0;
	v8 =	vadd.s32 v0, v13;
	v6 =	vld [tilespmem:s16+$0xE810]  }
0x3d: {  	s23 =	simm.s32 $0x1;
	v4 =	vmov s20;
	s20 =	simm.s32 $0x2;
	v10 =	vld [tilespmem:s31+$0xFFFFFF80]  }
0x3e: {  	v12 =	vand.u32 $0x7C, v4;
	v4 =	vmov s23;
	v14 =	vmov s20;
	v11 =	vld [tilespmem:s31+$0xFFFFFFC0]  }
0x3f: {  	v15 =	vadd.s32 v0, v12;
	v19 =	vand.u32 $0x7D, v4;
	v16 =	vld [tilespmem:s31+$0x0];
	v7 =	vadd.f32 v7, v9  }
0x40: {  	v21 =	vand.u32 $0x7E, v14;
	v17 =	vadd.s32 v0, v19;
	v5 =	vld [tilespmem:s16+$0xE820]  }
0x41: {  	v14 =	vadd.s32 v0, v21;
	v4 =	vld [tilespmem:s16+$0xE830];
	[tilespmem:v8+s22+$0x0] =	vst.idx.msk $0xffff, v7  }
0x42: {  	v7 =	vadd.f32 v10, v9;
	v8 =	vld [tilespmem:s31+$0x50]  }
0x43: {  	v10 =	vadd.f32 v11, v9  }
0x44: {  	v11 =	vadd.s32 v1, v13;
	[tilespmem:v15+s22+$0x0] =	vst.idx.msk $0xffff, v7;
	v7 =	vadd.f32 v16, v9  }
0x45: {  	[tilespmem:v17+s22+$0x0] =	vst.idx.msk $0xffff, v10;
	v15 =	vld [tilespmem:s31+$0xFFFFFF90]  }
0x46: {  	v10 =	vld [tilespmem:s31+$0xFFFFFFD0];
	[tilespmem:v14+s22+$0x0] =	vst.idx.msk $0xffff, v7  }
0x47: {  	v14 =	vld [tilespmem:s31+$0x10];
	v7 =	vadd.f32 v8, v6  }
0x48: {  	s23 =	simm.s32 $0x7;
	s16 =	simm.s32 $0x6580;
	v16 =	vadd.s32 v1, v19  }
0x49: {  	v26 =	vadd.s32 v2, v13;
	s20 =	simm.s32 $0x4;
	v18 =	vld [tilespmem:s16+$0x40];
	v17 =	vadd.s32 v1, v21;
	[tilespmem:v11+s22+$0x0] =	vst.idx.msk $0xffff, v7;
	v7 =	vmov s23  }
0x4a: {  	v20 =	vadd.s32 v1, v12;
	v8 =	vmov s20;
	v7 =	vand.u32 $0x7F, v7;
	v22 =	vld [tilespmem:s31+$0x60]  }
0x4b: {  	v23 =	vld [tilespmem:s16+$0xFFFFFF80];
	v8 =	vand.u32 $0x7C, v8;
	v10 =	vadd.f32 v10, v6;
	s23 =	simm.s32 $0x5;
	v24 =	vadd.s32 v0, v7  }
0x4c: {  	v25 =	vld [tilespmem:s16+$0xFFFFFFC0];
	s20 =	simm.s32 $0x6;
	v15 =	vadd.f32 v15, v6;
	v11 =	vadd.f32 v14, v6;
	v14 =	vmov s23  }
0x4d: {  	v27 =	vadd.s32 v0, v8;
	[tilespmem:v16+s22+$0x0] =	vst.idx.msk $0xffff, v10;
	v16 =	vmov s20;
	v10 =	vand.u32 $0x7D, v14;
	v14 =	vld [tilespmem:s16+$0x0]  }
0x4e: {  	[tilespmem:v17+s22+$0x0] =	vst.idx.msk $0xffff, v11;
	v17 =	vadd.s32 v0, v10;
	v11 =	vand.u32 $0x7E, v16;
	v16 =	vadd.f32 v18, v9;
	v18 =	vld [tilespmem:s31+$0xFFFFFFE0]  }
0x4f: {  	[tilespmem:v20+s22+$0x0] =	vst.idx.msk $0xffff, v15;
	v15 =	vadd.s32 v0, v11;
	v20 =	vld [tilespmem:s31+$0x20];
	v22 =	vadd.f32 v22, v5  }
0x50: {  	v23 =	vadd.f32 v23, v9;
	[tilespmem:v24+s22+$0x0] =	vst.idx.msk $0xffff, v16;
	v16 =	vld [tilespmem:s31+$0xFFFFFFA0];
	v24 =	vadd.s32 v2, v19  }
0x51: {  	v29 =	vadd.s32 v2, v21;
	v25 =	vadd.f32 v25, v9;
	v28 =	vld [tilespmem:s16+$0x50];
	[tilespmem:v26+s22+$0x0] =	vst.idx.msk $0xffff, v22  }
0x52: {  	[tilespmem:v27+s22+$0x0] =	vst.idx.msk $0xffff, v23;
	v23 =	vadd.s32 v2, v12;
	v14 =	vadd.f32 v14, v9;
	v26 =	vld [tilespmem:s31+$0x70]  }
0x53: {  	v27 =	vld [tilespmem:s16+$0xFFFFFF90];
	[tilespmem:v17+s22+$0x0] =	vst.idx.msk $0xffff, v25;
	v25 =	vadd.s32 v1, v7;
	v18 =	vadd.f32 v18, v5  }
0x54: {  	v31 =	vadd.s32 v3, v13;
	v30 =	vld [tilespmem:s16+$0xFFFFFFD0];
	[tilespmem:v15+s22+$0x0] =	vst.idx.msk $0xffff, v14;
	v14 =	vadd.f32 v20, v5  }
0x55: {  	v22 =	vadd.s32 v1, v8;
	v17 =	vld [tilespmem:s16+$0x10];
	v13 =	vadd.f32 v16, v5;
	[tilespmem:v24+s22+$0x0] =	vst.idx.msk $0xffff, v18  }
0x56: {  	s19 =	simm.s32 $0x8;
	v20 =	vadd.s32 v1, v10;
	[tilespmem:v29+s22+$0x0] =	vst.idx.msk $0xffff, v14;
	v18 =	vadd.f32 v28, v6;
	v16 =	vld [tilespmem:s31+$0xFFFFFFF0]  }
0x57: {  	v24 =	vmov s19;
	v14 =	vadd.s32 v1, v11;
	v15 =	vld [tilespmem:s31+$0x30];
	[tilespmem:v23+s22+$0x0] =	vst.idx.msk $0xffff, v13;
	v63 =	vadd.f32 v26, v4  }
0x58: {  	s30 =	sadd.s32 s6, s5;
	s5 =	simm.s32 $0x6680;
	s23 =	simm.s32 $0xB;
	v19 =	vadd.s32 v3, v19;
	v13 =	vand.u32 $0x7C, v24;
	v24 =	vadd.f32 v27, v6;
	[tilespmem:v25+s22+$0x0] =	vst.idx.msk $0xffff, v18;
	v18 =	vld [tilespmem:s31+$0xFFFFFFB0]  }
0x59: {  	v21 =	vadd.s32 v3, v21;
	s20 =	simm.s32 $0xC;
	v26 =	vmov s23;
	v23 =	vld [tilespmem:s5+$0x40];
	s31 =	sshrl.u32 s30, $0x5;
	v25 =	vadd.f32 v30, v6;
	[tilespmem:v31+s22+$0x0] =	vst.idx.msk $0xffff, v63  }
.LBB2_3:
0x5a: {  	p1 =	slt.u32 s20, $0x7C;
	s23 =	sadd.s32 $0x1, s19;
	v26 =	vand.u32 $0x7F, v26;
	[tilespmem:v22+s22+$0x0] =	vst.idx.msk $0xffff, v24;
	v17 =	vadd.f32 v17, v6;
	v22 =	vld [tilespmem:s16+$0x60];
	v24 =	vadd.s32 v3, v12  }
0x5b: {  	v30 =	vmovc v11;
	v27 =	vld [tilespmem:s5+$0xFFFFFF80];
	v28 =	vmov s23;
	s23 =	sadd.s32 $0x2, s19;
	v29 =	vadd.s32 v0, v26;
	[tilespmem:v20+s22+$0x0] =	vst.idx.msk $0xffff, v25;
	v16 =	vadd.f32 v16, v4;
	s19 =	smov.u32 s20  }
0x5c: {  	v12 =	vmovc v8;
	v20 =	vld [tilespmem:s5+$0xFFFFFFC0];
	v11 =	vmov s23;
	[tilespmem:v14+s22+$0x0] =	vst.idx.msk $0xffff, v17;
	v14 =	vadd.s32 v2, v7;
	v15 =	vadd.f32 v15, v4  }
0x5d: {  	v17 =	vadd.s32 v0, v13;
	v28 =	vand.u32 $0x7D, v28;
	v25 =	vld [tilespmem:s5+$0x0];
	v31 =	vadd.f32 v18, v4;
	[tilespmem:v19+s22+$0x0] =	vst.idx.msk $0xffff, v16  }
0x5e: {  	v16 =	vadd.s32 v0, v28;
	v11 =	vand.u32 $0x7E, v11;
	v18 =	vadd.f32 v23, v9;
	v19 =	vld [tilespmem:s16+$0xFFFFFFE0];
	[tilespmem:v21+s22+$0x0] =	vst.idx.msk $0xffff, v15  }
0x5f: {  	v8 =	vmov v13;
	v15 =	vadd.s32 v0, v11;
	v21 =	vld [tilespmem:s16+$0x20];
	v22 =	vadd.f32 v22, v5;
	[tilespmem:v24+s22+$0x0] =	vst.idx.msk $0xffff, v31  }
0x60: {  	v23 =	vadd.s32 v2, v10;
	v13 =	vadd.f32 v27, v9;
	[tilespmem:v29+s22+$0x0] =	vst.idx.msk $0xffff, v18;
	v18 =	vld [tilespmem:s16+$0xFFFFFFA0]  }
0x61: {  	v27 =	vadd.s32 v2, v30;
	v20 =	vadd.f32 v20, v9;
	v24 =	vld [tilespmem:s5+$0x50];
	[tilespmem:v14+s22+$0x0] =	vst.idx.msk $0xffff, v22  }
0x62: {  	[tilespmem:v17+s22+$0x0] =	vst.idx.msk $0xffff, v13;
	v13 =	vadd.f32 v25, v9;
	v25 =	vadd.s32 v2, v12;
	v29 =	vld [tilespmem:s16+$0x70]  }
0x63: {  	v32 =	vadd.s32 v1, v26;
	v31 =	vld [tilespmem:s5+$0xFFFFFF90];
	[tilespmem:v16+s22+$0x0] =	vst.idx.msk $0xffff, v20;
	v14 =	vadd.f32 v19, v5  }
0x64: {  	v34 =	vadd.s32 v3, v7;
	v7 =	vmov v26;
	v33 =	vld [tilespmem:s5+$0xFFFFFFD0];
	[tilespmem:v15+s22+$0x0] =	vst.idx.msk $0xffff, v13;
	v13 =	vadd.f32 v21, v5  }
.Ltmp0:
0x65: {  	v22 =	vadd.s32 v1, v8;
	v17 =	vld [tilespmem:s5+$0x10];
	v15 =	vadd.f32 v18, v5;
	[tilespmem:v23+s22+$0x0] =	vst.idx.msk $0xffff, v14;
	(pc) =	sbr.rel @p1 .LBB2_3-.Ltmp0, $4  }
0x66: {  	v20 =	vadd.s32 v1, v28;
	v18 =	vadd.f32 v24, v6;
	v16 =	vld [tilespmem:s16+$0xFFFFFFF0];
	[tilespmem:v27+s22+$0x0] =	vst.idx.msk $0xffff, v13  }
0x67: {  	v14 =	vadd.s32 v1, v11;
	v13 =	vmov s20;
	[tilespmem:v25+s22+$0x0] =	vst.idx.msk $0xffff, v15;
	v15 =	vld [tilespmem:s16+$0x30];
	v27 =	vadd.f32 v29, v4  }
0x68: {  	s23 =	sadd.s32 $0x3, s20;
	v19 =	vadd.s32 v3, v10;
	v13 =	vand.u32 $0x7C, v13;
	v24 =	vadd.f32 v31, v6;
	[tilespmem:v32+s22+$0x0] =	vst.idx.msk $0xffff, v18;
	v18 =	vld [tilespmem:s16+$0xFFFFFFB0];
	s16 =	smov.u32 s5;
	s5 =	sadd.s32 $0x100, s5  }
0x69: {  	v26 =	vmov s23;
	v10 =	vmovc v28;
	v21 =	vadd.s32 v3, v30;
	s20 =	sadd.s32 $0x4, s20;
	v23 =	vld [tilespmem:s5+$0x40];
	v25 =	vadd.f32 v33, v6;
	[tilespmem:v34+s22+$0x0] =	vst.idx.msk $0xffff, v27  }
0x6a: {  	s20 =	sadd.s32 $0x1, s19  }
0x6b: {  	v26 =	vand.u32 $0x7F, v26;
	s23 =	sadd.s32 $0x2, s19;
	v28 =	vld [tilespmem:s5+$0xFFFFFFC0];
	v27 =	vmov s20  }
0x6c: {  	v31 =	vld [tilespmem:s5+$0x0];
	v29 =	vmov s23;
	v30 =	vadd.s32 v0, v26;
	v27 =	vand.u32 $0x7D, v27  }
0x6d: {  	v32 =	vld [tilespmem:s5+$0xFFFFFF80];
	v29 =	vand.u32 $0x7E, v29;
	v33 =	vadd.s32 v0, v27  }
0x6e: {  	v34 =	vadd.s32 v0, v29  }
0x6f: {  	[tilespmem:v22+s22+$0x0] =	vst.idx.msk $0xffff, v24;
	v44 =	vadd.s32 v0, v13;
	v23 =	vadd.f32 v23, v9  }
0x70: {  	[tilespmem:v20+s22+$0x0] =	vst.idx.msk $0xffff, v25;
	v45 =	vadd.f32 v28, v9  }
0x71: {  	v46 =	vadd.f32 v31, v9;
	[tilespmem:v30+s22+$0x0] =	vst.idx.msk $0xffff, v23  }
0x72: {  	v47 =	vadd.f32 v32, v9;
	v48 =	vld [tilespmem:s5+$0x50];
	[tilespmem:v33+s22+$0x0] =	vst.idx.msk $0xffff, v45  }
0x73: {  	v17 =	vadd.f32 v17, v6;
	v12 =	vadd.s32 v3, v12;
	[tilespmem:v34+s22+$0x0] =	vst.idx.msk $0xffff, v46;
	v20 =	vld [tilespmem:s5+$0xFFFFFFD0]  }
0x74: {  	v16 =	vadd.f32 v16, v4;
	v49 =	vadd.s32 v1, v26;
	[tilespmem:v44+s22+$0x0] =	vst.idx.msk $0xffff, v47;
	v50 =	vld [tilespmem:s5+$0x10]  }
0x75: {  	[tilespmem:v14+s22+$0x0] =	vst.idx.msk $0xffff, v17;
	v51 =	vadd.f32 v15, v4;
	v53 =	vadd.s32 v1, v27;
	v52 =	vld [tilespmem:s5+$0xFFFFFF90]  }
0x76: {  	v54 =	vld [tilespmem:s16+$0x60];
	v18 =	vadd.f32 v18, v4;
	[tilespmem:v19+s22+$0x0] =	vst.idx.msk $0xffff, v16;
	v55 =	vadd.s32 v1, v29  }
0x77: {  	v57 =	vadd.s32 v1, v13;
	v60 =	vld [tilespmem:s16+$0x20];
	[tilespmem:v21+s22+$0x0] =	vst.idx.msk $0xffff, v51;
	v58 =	vadd.f32 v48, v6  }
0x78: {  	v59 =	vadd.s32 v2, v7;
	v56 =	vld [tilespmem:s16+$0xFFFFFFE0];
	[tilespmem:v12+s22+$0x0] =	vst.idx.msk $0xffff, v18;
	v61 =	vadd.f32 v20, v6  }
0x79: {  	v62 =	vld [tilespmem:s16+$0xFFFFFFA0];
	v30 =	vadd.s32 v2, v11;
	[tilespmem:v49+s22+$0x0] =	vst.idx.msk $0xffff, v58;
	v28 =	vadd.f32 v50, v6  }
0x7a: {  	v63 =	vadd.s32 v2, v10;
	v31 =	vadd.f32 v52, v6;
	v32 =	vld [tilespmem:s5+$0x60];
	[tilespmem:v53+s22+$0x0] =	vst.idx.msk $0xffff, v61  }
0x7b: {  	v33 =	vadd.f32 v54, v5;
	v34 =	vadd.s32 v2, v8;
	[tilespmem:v55+s22+$0x0] =	vst.idx.msk $0xffff, v28;
	v35 =	vld [tilespmem:s5+$0xFFFFFFE0]  }
0x7c: {  	v37 =	vadd.s32 v2, v26;
	v39 =	vadd.f32 v60, v5;
	[tilespmem:v57+s22+$0x0] =	vst.idx.msk $0xffff, v31;
	v38 =	vld [tilespmem:s5+$0x20]  }
0x7d: {  	v41 =	vadd.s32 v2, v27;
	v36 =	vadd.f32 v56, v5;
	[tilespmem:v59+s22+$0x0] =	vst.idx.msk $0xffff, v33;
	v40 =	vld [tilespmem:s5+$0xFFFFFFA0]  }
0x7e: {  	v43 =	vadd.s32 v2, v29;
	v18 =	vadd.f32 v62, v5;
	v42 =	vld [tilespmem:s16+$0x70];
	[tilespmem:v30+s22+$0x0] =	vst.idx.msk $0xffff, v39  }
0x7f: {  	v45 =	vadd.s32 v2, v13;
	[tilespmem:v63+s22+$0x0] =	vst.idx.msk $0xffff, v36;
	v47 =	vld [tilespmem:s16+$0x30];
	v44 =	vadd.f32 v32, v5  }
0x80: {  	v46 =	vadd.s32 v3, v7;
	[tilespmem:v34+s22+$0x0] =	vst.idx.msk $0xffff, v18;
	v20 =	vld [tilespmem:s16+$0xFFFFFFF0];
	v9 =	vadd.f32 v35, v5  }
0x81: {  	v18 =	vld [tilespmem:s16+$0xFFFFFFB0];
	v50 =	vadd.s32 v3, v11;
	[tilespmem:v37+s22+$0x0] =	vst.idx.msk $0xffff, v44;
	v49 =	vadd.f32 v38, v5  }
0x82: {  	v48 =	vadd.s32 v3, v10;
	v5 =	vadd.f32 v40, v5;
	v12 =	vld [tilespmem:s5+$0x70];
	[tilespmem:v41+s22+$0x0] =	vst.idx.msk $0xffff, v9  }
0x83: {  	v52 =	vadd.s32 v3, v8;
	v51 =	vadd.f32 v42, v4;
	[tilespmem:v43+s22+$0x0] =	vst.idx.msk $0xffff, v49;
	v53 =	vld [tilespmem:s5+$0xFFFFFFF0]  }
0x84: {  	v55 =	vadd.s32 v3, v26;
	v56 =	vadd.f32 v47, v4;
	[tilespmem:v45+s22+$0x0] =	vst.idx.msk $0xffff, v5;
	v5 =	vld [tilespmem:s5+$0x30]  }
0x85: {  	v58 =	vadd.s32 v3, v27;
	[tilespmem:v46+s22+$0x0] =	vst.idx.msk $0xffff, v51;
	v54 =	vadd.f32 v20, v4;
	v57 =	vld [tilespmem:s5+$0xFFFFFFB0]  }
0x86: {  	v60 =	vadd.s32 v3, v29;
	v59 =	vadd.f32 v18, v4;
	[tilespmem:v50+s22+$0x0] =	vst.idx.msk $0xffff, v56  }
0x87: {  	v62 =	vadd.s32 v3, v13;
	[tilespmem:v48+s22+$0x0] =	vst.idx.msk $0xffff, v54;
	v61 =	vadd.f32 v12, v4  }
0x88: {  	[tilespmem:v52+s22+$0x0] =	vst.idx.msk $0xffff, v59;
	v63 =	vadd.f32 v53, v4  }
0x89: {  	s0 =	sshll.u32 s0, $0x7;
	[tilespmem:v55+s22+$0x0] =	vst.idx.msk $0xffff, v61;
	v5 =	vadd.f32 v5, v4  }
0x8a: {  	s1 =	sshll.u32 s1, $0xF;
	s0 =	sand.u32 $0xF00, s0;
	v4 =	vadd.f32 v57, v4;
	[tilespmem:v58+s22+$0x0] =	vst.idx.msk $0xffff, v63  }
0x8b: {  	s0 =	sor.u32 s0, s1;
	[tilespmem:v60+s22+$0x0] =	vst.idx.msk $0xffff, v5  }
0x8c: {  	s1 =	sadd.s32 s2, s0;
	[tilespmem:v62+s22+$0x0] =	vst.idx.msk $0xffff, v4  }
0x8d: {  	[hbm4b:s1+s3] =	stream.linear.scatter [tilespmem:s22], [sflag:$0x3], $0x80, $0x38;
	[tilespmem:$0x11A00] =	vst v63  }
0x8e: {  	s23 =	simm.s32 $0xA488;
	s20 =	sadd.s32 $0x10, s1  }
0x8f: {  	[hbm4b:s20+s3] =	stream.linear.scatter [tilespmem:s23], [sflag:$0x3], $0x80, $0x38;
	[tilespmem:$0x11A00] =	vst v63  }
0x90: {  	s19 =	simm.s32 $0xA510;
	s16 =	sadd.s32 $0x20, s1  }
0x91: {  	[hbm4b:s16+s3] =	stream.linear.scatter [tilespmem:s19], [sflag:$0x3], $0x80, $0x38;
	[tilespmem:$0x11A00] =	vst v63  }
0x92: {  	s20 =	sadd.s32 $0x30, s1;
	s23 =	simm.s32 $0xA598  }
0x93: {  	[hbm4b:s20+s3] =	stream.linear.scatter [tilespmem:s23], [sflag:$0x3], $0x80, $0x38;
	[tilespmem:$0x11A00] =	vst v63  }
0x94: {  	s16 =	sadd.s32 $0x40, s1;
	s19 =	simm.s32 $0xA620  }
0x95: {  	[hbm4b:s16+s3] =	stream.linear.scatter [tilespmem:s19], [sflag:$0x3], $0x80, $0x38;
	[tilespmem:$0x11A00] =	vst v63  }
0x96: {  	s20 =	sadd.s32 $0x50, s1;
	s23 =	simm.s32 $0xA6A8  }
0x97: {  	[hbm4b:s20+s3] =	stream.linear.scatter [tilespmem:s23], [sflag:$0x3], $0x80, $0x38;
	[tilespmem:$0x11A00] =	vst v63  }
0x98: {  	s16 =	sadd.s32 $0x60, s1;
	s19 =	simm.s32 $0xA730  }
0x99: {  	[hbm4b:s16+s3] =	stream.linear.scatter [tilespmem:s19], [sflag:$0x3], $0x80, $0x38;
	[tilespmem:$0x11A00] =	vst v63  }
0x9a: {  	s1 =	sadd.s32 $0x70, s1;
	s20 =	simm.s32 $0xA7B8  }
0x9b: {  	[hbm4b:s1+s3] =	stream.linear.scatter [tilespmem:s20], [sflag:$0x3], $0x80, $0x38;
	[tilespmem:$0x11A00] =	vst v63  }
0x9c: {  	s23 =	simm.s32 $0xA840;
	s1 =	sadd.s32 s0, s8  }
0x9d: {  	[hbm4b:s1+s3] =	stream.linear.scatter [tilespmem:s23], [sflag:$0x3], $0x80, $0x38;
	[tilespmem:$0x11A00] =	vst v63  }
0x9e: {  	s19 =	simm.s32 $0xA8C8;
	s16 =	sadd.s32 $0x10, s1  }
0x9f: {  	[hbm4b:s16+s3] =	stream.linear.scatter [tilespmem:s19], [sflag:$0x3], $0x80, $0x38;
	[tilespmem:$0x11A00] =	vst v63  }
0xa0: {  	s20 =	sadd.s32 $0x20, s1;
	s23 =	simm.s32 $0xA950  }
0xa1: {  	[hbm4b:s20+s3] =	stream.linear.scatter [tilespmem:s23], [sflag:$0x3], $0x80, $0x38;
	[tilespmem:$0x11A00] =	vst v63  }
0xa2: {  	s16 =	sadd.s32 $0x30, s1;
	s19 =	simm.s32 $0xA9D8  }
0xa3: {  	[hbm4b:s16+s3] =	stream.linear.scatter [tilespmem:s19], [sflag:$0x3], $0x80, $0x38;
	[tilespmem:$0x11A00] =	vst v63  }
0xa4: {  	s20 =	sadd.s32 $0x40, s1;
	s23 =	simm.s32 $0xAA60  }
0xa5: {  	[hbm4b:s20+s3] =	stream.linear.scatter [tilespmem:s23], [sflag:$0x3], $0x80, $0x38;
	[tilespmem:$0x11A00] =	vst v63  }
0xa6: {  	s16 =	sadd.s32 $0x50, s1;
	s19 =	simm.s32 $0xAAE8  }
0xa7: {  	[hbm4b:s16+s3] =	stream.linear.scatter [tilespmem:s19], [sflag:$0x3], $0x80, $0x38;
	[tilespmem:$0x11A00] =	vst v63  }
0xa8: {  	s20 =	sadd.s32 $0x60, s1;
	s23 =	simm.s32 $0xAB70  }
0xa9: {  	[hbm4b:s20+s3] =	stream.linear.scatter [tilespmem:s23], [sflag:$0x3], $0x80, $0x38;
	[tilespmem:$0x11A00] =	vst v63  }
0xaa: {  	s1 =	sadd.s32 $0x70, s1;
	s16 =	simm.s32 $0xABF8  }
0xab: {  	[hbm4b:s1+s3] =	stream.linear.scatter [tilespmem:s16], [sflag:$0x3], $0x80, $0x38;
	[tilespmem:$0x11A00] =	vst v63  }
0xac: {  	s19 =	simm.s32 $0xAC80;
	s1 =	sadd.s32 s0, s9  }
0xad: {  	[hbm4b:s1+s3] =	stream.linear.scatter [tilespmem:s19], [sflag:$0x3], $0x80, $0x38;
	[tilespmem:$0x11A00] =	vst v63  }
0xae: {  	s23 =	simm.s32 $0xAD08;
	s20 =	sadd.s32 $0x10, s1  }
0xaf: {  	[hbm4b:s20+s3] =	stream.linear.scatter [tilespmem:s23], [sflag:$0x3], $0x80, $0x38;
	[tilespmem:$0x11A00] =	vst v63  }
0xb0: {  	s16 =	sadd.s32 $0x20, s1;
	s19 =	simm.s32 $0xAD90  }
0xb1: {  	[hbm4b:s16+s3] =	stream.linear.scatter [tilespmem:s19], [sflag:$0x3], $0x80, $0x38;
	[tilespmem:$0x11A00] =	vst v63  }
0xb2: {  	s20 =	sadd.s32 $0x30, s1;
	s23 =	simm.s32 $0xAE18  }
0xb3: {  	[hbm4b:s20+s3] =	stream.linear.scatter [tilespmem:s23], [sflag:$0x3], $0x80, $0x38;
	[tilespmem:$0x11A00] =	vst v63  }
0xb4: {  	s16 =	sadd.s32 $0x40, s1;
	s19 =	simm.s32 $0xAEA0  }
0xb5: {  	[hbm4b:s16+s3] =	stream.linear.scatter [tilespmem:s19], [sflag:$0x3], $0x80, $0x38;
	[tilespmem:$0x11A00] =	vst v63  }
0xb6: {  	s20 =	sadd.s32 $0x50, s1;
	s23 =	simm.s32 $0xAF28  }
0xb7: {  	[hbm4b:s20+s3] =	stream.linear.scatter [tilespmem:s23], [sflag:$0x3], $0x80, $0x38;
	[tilespmem:$0x11A00] =	vst v63  }
0xb8: {  	s16 =	sadd.s32 $0x60, s1;
	s19 =	simm.s32 $0xAFB0  }
0xb9: {  	[hbm4b:s16+s3] =	stream.linear.scatter [tilespmem:s19], [sflag:$0x3], $0x80, $0x38;
	[tilespmem:$0x11A00] =	vst v63  }
0xba: {  	s1 =	sadd.s32 $0x70, s1;
	s20 =	simm.s32 $0xB038  }
0xbb: {  	[hbm4b:s1+s3] =	stream.linear.scatter [tilespmem:s20], [sflag:$0x3], $0x80, $0x38;
	[tilespmem:$0x11A00] =	vst v63  }
0xbc: {  	s23 =	simm.s32 $0xB0C0;
	s1 =	sadd.s32 s0, s10  }
0xbd: {  	[hbm4b:s1+s3] =	stream.linear.scatter [tilespmem:s23], [sflag:$0x3], $0x80, $0x38;
	[tilespmem:$0x11A00] =	vst v63  }
0xbe: {  	s19 =	simm.s32 $0xB148;
	s16 =	sadd.s32 $0x10, s1  }
0xbf: {  	[hbm4b:s16+s3] =	stream.linear.scatter [tilespmem:s19], [sflag:$0x3], $0x80, $0x38;
	[tilespmem:$0x11A00] =	vst v63  }
0xc0: {  	s20 =	sadd.s32 $0x20, s1;
	s23 =	simm.s32 $0xB1D0  }
0xc1: {  	[hbm4b:s20+s3] =	stream.linear.scatter [tilespmem:s23], [sflag:$0x3], $0x80, $0x38;
	[tilespmem:$0x11A00] =	vst v63  }
0xc2: {  	s16 =	sadd.s32 $0x30, s1;
	s19 =	simm.s32 $0xB258  }
0xc3: {  	[hbm4b:s16+s3] =	stream.linear.scatter [tilespmem:s19], [sflag:$0x3], $0x80, $0x38;
	[tilespmem:$0x11A00] =	vst v63  }
0xc4: {  	s20 =	sadd.s32 $0x40, s1;
	s23 =	simm.s32 $0xB2E0  }
0xc5: {  	[hbm4b:s20+s3] =	stream.linear.scatter [tilespmem:s23], [sflag:$0x3], $0x80, $0x38;
	[tilespmem:$0x11A00] =	vst v63  }
0xc6: {  	s16 =	sadd.s32 $0x50, s1;
	s19 =	simm.s32 $0xB368  }
0xc7: {  	[hbm4b:s16+s3] =	stream.linear.scatter [tilespmem:s19], [sflag:$0x3], $0x80, $0x38;
	[tilespmem:$0x11A00] =	vst v63  }
0xc8: {  	s20 =	sadd.s32 $0x60, s1;
	s23 =	simm.s32 $0xB3F0  }
0xc9: {  	[hbm4b:s20+s3] =	stream.linear.scatter [tilespmem:s23], [sflag:$0x3], $0x80, $0x38;
	[tilespmem:$0x11A00] =	vst v63  }
0xca: {  	s1 =	sadd.s32 $0x70, s1;
	s16 =	simm.s32 $0xB478  }
0xcb: {  	[hbm4b:s1+s3] =	stream.linear.scatter [tilespmem:s16], [sflag:$0x3], $0x80, $0x38;
	[tilespmem:$0x11A00] =	vst v63  }
0xcc: {  	s19 =	simm.s32 $0xB500;
	s1 =	sadd.s32 s0, s11  }
0xcd: {  	[hbm4b:s1+s3] =	stream.linear.scatter [tilespmem:s19], [sflag:$0x3], $0x80, $0x38;
	[tilespmem:$0x11A00] =	vst v63  }
0xce: {  	s23 =	simm.s32 $0xB588;
	s20 =	sadd.s32 $0x10, s1  }
0xcf: {  	[hbm4b:s20+s3] =	stream.linear.scatter [tilespmem:s23], [sflag:$0x3], $0x80, $0x38;
	[tilespmem:$0x11A00] =	vst v63  }
0xd0: {  	s16 =	sadd.s32 $0x20, s1;
	s19 =	simm.s32 $0xB610  }
0xd1: {  	[hbm4b:s16+s3] =	stream.linear.scatter [tilespmem:s19], [sflag:$0x3], $0x80, $0x38;
	[tilespmem:$0x11A00] =	vst v63  }
0xd2: {  	s20 =	sadd.s32 $0x30, s1;
	s23 =	simm.s32 $0xB698  }
0xd3: {  	[hbm4b:s20+s3] =	stream.linear.scatter [tilespmem:s23], [sflag:$0x3], $0x80, $0x38;
	[tilespmem:$0x11A00] =	vst v63  }
0xd4: {  	s16 =	sadd.s32 $0x40, s1;
	s19 =	simm.s32 $0xB720  }
0xd5: {  	[hbm4b:s16+s3] =	stream.linear.scatter [tilespmem:s19], [sflag:$0x3], $0x80, $0x38;
	[tilespmem:$0x11A00] =	vst v63  }
0xd6: {  	s20 =	sadd.s32 $0x50, s1;
	s23 =	simm.s32 $0xB7A8  }
0xd7: {  	[hbm4b:s20+s3] =	stream.linear.scatter [tilespmem:s23], [sflag:$0x3], $0x80, $0x38;
	[tilespmem:$0x11A00] =	vst v63  }
0xd8: {  	s16 =	sadd.s32 $0x60, s1;
	s19 =	simm.s32 $0xB830  }
0xd9: {  	[hbm4b:s16+s3] =	stream.linear.scatter [tilespmem:s19], [sflag:$0x3], $0x80, $0x38;
	[tilespmem:$0x11A00] =	vst v63  }
0xda: {  	s1 =	sadd.s32 $0x70, s1;
	s20 =	simm.s32 $0xB8B8  }
0xdb: {  	[hbm4b:s1+s3] =	stream.linear.scatter [tilespmem:s20], [sflag:$0x3], $0x80, $0x38;
	[tilespmem:$0x11A00] =	vst v63  }
0xdc: {  	s23 =	simm.s32 $0xB940;
	s1 =	sadd.s32 s0, s12  }
0xdd: {  	[hbm4b:s1+s3] =	stream.linear.scatter [tilespmem:s23], [sflag:$0x3], $0x80, $0x38;
	[tilespmem:$0x11A00] =	vst v63  }
0xde: {  	s19 =	simm.s32 $0xB9C8;
	s16 =	sadd.s32 $0x10, s1  }
0xdf: {  	[hbm4b:s16+s3] =	stream.linear.scatter [tilespmem:s19], [sflag:$0x3], $0x80, $0x38;
	[tilespmem:$0x11A00] =	vst v63  }
0xe0: {  	s20 =	sadd.s32 $0x20, s1;
	s23 =	simm.s32 $0xBA50  }
0xe1: {  	[hbm4b:s20+s3] =	stream.linear.scatter [tilespmem:s23], [sflag:$0x3], $0x80, $0x38;
	[tilespmem:$0x11A00] =	vst v63  }
0xe2: {  	s16 =	sadd.s32 $0x30, s1;
	s19 =	simm.s32 $0xBAD8  }
0xe3: {  	[hbm4b:s16+s3] =	stream.linear.scatter [tilespmem:s19], [sflag:$0x3], $0x80, $0x38;
	[tilespmem:$0x11A00] =	vst v63  }
0xe4: {  	s20 =	sadd.s32 $0x40, s1;
	s23 =	simm.s32 $0xBB60  }
0xe5: {  	[hbm4b:s20+s3] =	stream.linear.scatter [tilespmem:s23], [sflag:$0x3], $0x80, $0x38;
	[tilespmem:$0x11A00] =	vst v63  }
0xe6: {  	s16 =	sadd.s32 $0x50, s1;
	s19 =	simm.s32 $0xBBE8  }
0xe7: {  	[hbm4b:s16+s3] =	stream.linear.scatter [tilespmem:s19], [sflag:$0x3], $0x80, $0x38;
	[tilespmem:$0x11A00] =	vst v63  }
0xe8: {  	s20 =	sadd.s32 $0x60, s1;
	s23 =	simm.s32 $0xBC70  }
0xe9: {  	[hbm4b:s20+s3] =	stream.linear.scatter [tilespmem:s23], [sflag:$0x3], $0x80, $0x38;
	[tilespmem:$0x11A00] =	vst v63  }
0xea: {  	s1 =	sadd.s32 $0x70, s1;
	s16 =	simm.s32 $0xBCF8  }
0xeb: {  	[hbm4b:s1+s3] =	stream.linear.scatter [tilespmem:s16], [sflag:$0x3], $0x80, $0x38;
	[tilespmem:$0x11A00] =	vst v63  }
0xec: {  	s19 =	simm.s32 $0xBD80;
	s1 =	sadd.s32 s0, s13  }
0xed: {  	[hbm4b:s1+s3] =	stream.linear.scatter [tilespmem:s19], [sflag:$0x3], $0x80, $0x38;
	[tilespmem:$0x11A00] =	vst v63  }
0xee: {  	s23 =	simm.s32 $0xBE08;
	s20 =	sadd.s32 $0x10, s1  }
0xef: {  	[hbm4b:s20+s3] =	stream.linear.scatter [tilespmem:s23], [sflag:$0x3], $0x80, $0x38;
	[tilespmem:$0x11A00] =	vst v63  }
0xf0: {  	s16 =	sadd.s32 $0x20, s1;
	s19 =	simm.s32 $0xBE90  }
0xf1: {  	[hbm4b:s16+s3] =	stream.linear.scatter [tilespmem:s19], [sflag:$0x3], $0x80, $0x38;
	[tilespmem:$0x11A00] =	vst v63  }
0xf2: {  	s20 =	sadd.s32 $0x30, s1;
	s23 =	simm.s32 $0xBF18  }
0xf3: {  	[hbm4b:s20+s3] =	stream.linear.scatter [tilespmem:s23], [sflag:$0x3], $0x80, $0x38;
	[tilespmem:$0x11A00] =	vst v63  }
0xf4: {  	s16 =	sadd.s32 $0x40, s1;
	s19 =	simm.s32 $0xBFA0  }
0xf5: {  	[hbm4b:s16+s3] =	stream.linear.scatter [tilespmem:s19], [sflag:$0x3], $0x80, $0x38;
	[tilespmem:$0x11A00] =	vst v63  }
0xf6: {  	s20 =	sadd.s32 $0x50, s1;
	s23 =	simm.s32 $0xC028  }
0xf7: {  	[hbm4b:s20+s3] =	stream.linear.scatter [tilespmem:s23], [sflag:$0x3], $0x80, $0x38;
	[tilespmem:$0x11A00] =	vst v63  }
0xf8: {  	s19 =	sadd.s32 $0x60, s1;
	s20 =	simm.s32 $0xC0B0  }
0xf9: {  	[hbm4b:s19+s3] =	stream.linear.scatter [tilespmem:s20], [sflag:$0x3], $0x80, $0x38;
	[tilespmem:$0x11A00] =	vst v63  }
0xfa: {  	s1 =	sadd.s32 $0x70, s1;
	s23 =	simm.s32 $0xC138  }
0xfb: {  	[hbm4b:s1+s3] =	stream.linear.scatter [tilespmem:s23], [sflag:$0x3], $0x80, $0x38;
	[tilespmem:$0x11A00] =	vst v63  }
0xfc: {  	s5 =	simm.s32 $0xC1C0;
	s0 =	sadd.s32 s0, s14  }
0xfd: {  	[hbm4b:s0+s3] =	stream.linear.scatter [tilespmem:s5], [sflag:$0x3], $0x80, $0x38;
	[tilespmem:$0x11A00] =	vst v63  }
0xfe: {  	s16 =	sadd.s32 $0x10, s0;
	s19 =	simm.s32 $0xC248  }
0xff: {  	[hbm4b:s16+s3] =	stream.linear.scatter [tilespmem:s19], [sflag:$0x3], $0x80, $0x38;
	[tilespmem:$0x11A00] =	vst v63  }
0x100: {  	s20 =	sadd.s32 $0x20, s0;
	s23 =	simm.s32 $0xC2D0  }
0x101: {  	[hbm4b:s20+s3] =	stream.linear.scatter [tilespmem:s23], [sflag:$0x3], $0x80, $0x38;
	[tilespmem:$0x11A00] =	vst v63  }
0x102: {  	s16 =	sadd.s32 $0x30, s0;
	s19 =	simm.s32 $0xC358  }
0x103: {  	[hbm4b:s16+s3] =	stream.linear.scatter [tilespmem:s19], [sflag:$0x3], $0x80, $0x38;
	[tilespmem:$0x11A00] =	vst v63  }
0x104: {  	s20 =	sadd.s32 $0x40, s0;
	s23 =	simm.s32 $0xC3E0  }
0x105: {  	[hbm4b:s20+s3] =	stream.linear.scatter [tilespmem:s23], [sflag:$0x3], $0x80, $0x38;
	[tilespmem:$0x11A00] =	vst v63  }
0x106: {  	p1 =	sne.s32 s29, $0x63;
	s5 =	sadd.s32 $0x50, s0;
	s16 =	simm.s32 $0xC468  }
0x107: {  	[hbm4b:s5+s3] =	stream.linear.scatter [tilespmem:s16], [sflag:$0x3], $0x80, $0x38;
	[tilespmem:$0x11A00] =	vst v63  }
.Ltmp1:
0x108: {  	_ = 	snop;
	(pc) =	sbr.rel @p1 .LBB2_6-.Ltmp1, $4  }
0x109: {  	s19 =	sadd.s32 $0x60, s0;
	s20 =	simm.s32 $0xC4F0  }
0x10a: {  	[hbm4b:s19+s3] =	stream.linear.scatter [tilespmem:s20], [sflag:$0x3], $0x80, $0x38;
	[tilespmem:$0x11A00] =	vst v63  }
0x10b: {  	s0 =	sadd.s32 $0x70, s0;
	s23 =	simm.s32 $0xC578  }
0x10c: {  	[hbm4b:s0+s3] =	stream.linear.scatter [tilespmem:s23], [sflag:$0x3], $0x80, $0x38;
	[tilespmem:$0x11A00] =	vst v63  }
.Ltmp2:
0x10d: {  	(pc) =	sbr.rel .LBB2_7-.Ltmp2, $4  }
0x10e: {  	_ = 	snop  }
0x10f: {  	_ =	swait.ge [sflag:s7], $0x2000  }
0x110: {  	[sflag:s7] =	ssyncset.done $0x0  }
0x111: {  	[sflag:s7] =	ssyncadd.s32 $0xFFFFE000  }
.LBB2_6:
0x112: {  	s0 =	sshll.u32 s29, $0x8  }
0x113: {  	s0 =	sand.u32 $0x3FFFFF00, s0  }
.Ltmp3:
0x114: {  	s1 =	simm.s32 $0x6400;
	s0 =	sadd.s32 $0x100, s0;
	(pc) =	sbr.rel @p0 .LBB2_8-.Ltmp3, $4  }
0x115: {  	[tilespmem:s1], [sflag:$0x1] =	stream.indirect.gather [hbm4b:s4+s18], $0x40, s0, s18, $0xb8;
	[tilespmem:$0x11A00] =	vst v63  }
0x116: {  	_ =	swait.ge [sflag:s7], $0x2000  }
0x117: {  	[sflag:s7] =	ssyncset.done $0x0  }
0x118: {  	[sflag:s7] =	ssyncadd.s32 $0xFFFFE000  }
.LBB2_7:
0x119: {  	_ =	swait.ge [sflag:s15], $0x400  }
0x11a: {  	[sflag:s15] =	ssyncset.done $0x0  }
0x11b: {  	[sflag:s15] =	ssyncadd.s32 $0xFFFFFC00  }
0x11c: {  	_ =	swait.ge [sflag:s15], $0x400  }
0x11d: {  	[sflag:s15] =	ssyncset.done $0x0  }
0x11e: {  	[sflag:s15] =	ssyncadd.s32 $0xFFFFFC00  }
0x11f: {  	_ =	swait.ge [sflag:s15], $0x400  }
0x120: {  	[sflag:s15] =	ssyncset.done $0x0  }
0x121: {  	[sflag:s15] =	ssyncadd.s32 $0xFFFFFC00  }
0x122: {  	_ =	swait.ge [sflag:s15], $0x400  }
0x123: {  	[sflag:s15] =	ssyncset.done $0x0  }
0x124: {  	[sflag:s15] =	ssyncadd.s32 $0xFFFFFC00  }
0x125: {  	_ =	swait.ge [sflag:s15], $0x400  }
0x126: {  	[sflag:s15] =	ssyncset.done $0x0  }
0x127: {  	[sflag:s15] =	ssyncadd.s32 $0xFFFFFC00  }
0x128: {  	_ =	swait.ge [sflag:s15], $0x400  }
0x129: {  	[sflag:s15] =	ssyncset.done $0x0  }
0x12a: {  	[sflag:s15] =	ssyncadd.s32 $0xFFFFFC00  }
0x12b: {  	_ =	swait.ge [sflag:s15], $0x400  }
0x12c: {  	[sflag:s15] =	ssyncset.done $0x0  }
0x12d: {  	[sflag:s15] =	ssyncadd.s32 $0xFFFFFC00  }
0x12e: {  	_ =	swait.ge [sflag:s15], $0x400  }
0x12f: {  	[sflag:s15] =	ssyncset.done $0x0  }
0x130: {  	[sflag:s15] =	ssyncadd.s32 $0xFFFFFC00  }
.LBB2_8:
0x131: {  	s0 =	sshll.u32 s31, $0x6;
	s16 =	simm.s32 $0x8480  }
0x132: {  	s1 =	simm.s32 $0x3;
	s0 =	sand.u32 $0x3FFFFFC0, s0;
	v7 =	vld [tilespmem:s16+$0x40]  }
0x133: {  	v4 =	vmov s1;
	v9 =	vld [tilespmem:s0+$0xE800]  }
0x134: {  	v13 =	vand.u32 $0x7F, v4  }
0x135: {  	s20 =	simm.s32 $0x0;
	v10 =	vld [tilespmem:s16+$0xFFFFFF80];
	v8 =	vadd.s32 v0, v13  }
0x136: {  	s23 =	simm.s32 $0x1;
	s5 =	simm.s32 $0x2;
	v11 =	vld [tilespmem:s16+$0xFFFFFFC0];
	v4 =	vmov s20  }
0x137: {  	v14 =	vmov s5;
	v16 =	vld [tilespmem:s16+$0x0];
	v12 =	vand.u32 $0x7C, v4;
	v4 =	vmov s23  }
0x138: {  	v6 =	vld [tilespmem:s0+$0xE810];
	v15 =	vadd.s32 v0, v12;
	v19 =	vand.u32 $0x7D, v4;
	v7 =	vadd.f32 v7, v9  }
0x139: {  	v5 =	vld [tilespmem:s0+$0xE820];
	v20 =	vand.u32 $0x7E, v14;
	v17 =	vadd.s32 v0, v19  }
0x13a: {  	v14 =	vadd.s32 v0, v20;
	v4 =	vld [tilespmem:s0+$0xE830];
	[tilespmem:v8+s17+$0x0] =	vst.idx.msk $0xffff, v7  }
0x13b: {  	v7 =	vadd.f32 v10, v9;
	v8 =	vld [tilespmem:s16+$0x50]  }
0x13c: {  	v10 =	vadd.f32 v11, v9  }
0x13d: {  	v11 =	vadd.s32 v1, v13;
	[tilespmem:v15+s17+$0x0] =	vst.idx.msk $0xffff, v7;
	v7 =	vadd.f32 v16, v9  }
0x13e: {  	[tilespmem:v17+s17+$0x0] =	vst.idx.msk $0xffff, v10;
	v15 =	vld [tilespmem:s16+$0xFFFFFF90]  }
0x13f: {  	v10 =	vld [tilespmem:s16+$0xFFFFFFD0];
	[tilespmem:v14+s17+$0x0] =	vst.idx.msk $0xffff, v7  }
0x140: {  	v14 =	vld [tilespmem:s16+$0x10];
	v7 =	vadd.f32 v8, v6  }
0x141: {  	s19 =	simm.s32 $0x7;
	s0 =	simm.s32 $0x8580;
	v16 =	vadd.s32 v1, v19  }
0x142: {  	s5 =	simm.s32 $0x4;
	v26 =	vadd.s32 v2, v13;
	v18 =	vld [tilespmem:s0+$0x40];
	v17 =	vadd.s32 v1, v20;
	[tilespmem:v11+s17+$0x0] =	vst.idx.msk $0xffff, v7;
	v7 =	vmov s19  }
0x143: {  	v21 =	vadd.s32 v1, v12;
	v8 =	vmov s5;
	v7 =	vand.u32 $0x7F, v7;
	v22 =	vld [tilespmem:s16+$0x60]  }
0x144: {  	s20 =	simm.s32 $0x5;
	v23 =	vld [tilespmem:s0+$0xFFFFFF80];
	v8 =	vand.u32 $0x7C, v8;
	v10 =	vadd.f32 v10, v6;
	v24 =	vadd.s32 v0, v7  }
0x145: {  	s23 =	simm.s32 $0x6;
	v25 =	vld [tilespmem:s0+$0xFFFFFFC0];
	v15 =	vadd.f32 v15, v6;
	v11 =	vadd.f32 v14, v6;
	v14 =	vmov s20  }
0x146: {  	v27 =	vadd.s32 v0, v8;
	[tilespmem:v16+s17+$0x0] =	vst.idx.msk $0xffff, v10;
	v16 =	vmov s23;
	v10 =	vand.u32 $0x7D, v14;
	v14 =	vld [tilespmem:s0+$0x0]  }
0x147: {  	[tilespmem:v17+s17+$0x0] =	vst.idx.msk $0xffff, v11;
	v17 =	vadd.s32 v0, v10;
	v11 =	vand.u32 $0x7E, v16;
	v16 =	vadd.f32 v18, v9;
	v18 =	vld [tilespmem:s16+$0xFFFFFFE0]  }
0x148: {  	[tilespmem:v21+s17+$0x0] =	vst.idx.msk $0xffff, v15;
	v15 =	vadd.s32 v0, v11;
	v21 =	vld [tilespmem:s16+$0x20];
	v22 =	vadd.f32 v22, v5  }
0x149: {  	v23 =	vadd.f32 v23, v9;
	[tilespmem:v24+s17+$0x0] =	vst.idx.msk $0xffff, v16;
	v16 =	vld [tilespmem:s16+$0xFFFFFFA0];
	v24 =	vadd.s32 v2, v19  }
0x14a: {  	v29 =	vadd.s32 v2, v20;
	v25 =	vadd.f32 v25, v9;
	v28 =	vld [tilespmem:s0+$0x50];
	[tilespmem:v26+s17+$0x0] =	vst.idx.msk $0xffff, v22  }
0x14b: {  	[tilespmem:v27+s17+$0x0] =	vst.idx.msk $0xffff, v23;
	v23 =	vadd.s32 v2, v12;
	v14 =	vadd.f32 v14, v9;
	v26 =	vld [tilespmem:s16+$0x70]  }
0x14c: {  	v27 =	vld [tilespmem:s0+$0xFFFFFF90];
	[tilespmem:v17+s17+$0x0] =	vst.idx.msk $0xffff, v25;
	v25 =	vadd.s32 v1, v7;
	v18 =	vadd.f32 v18, v5  }
0x14d: {  	v31 =	vadd.s32 v3, v13;
	v30 =	vld [tilespmem:s0+$0xFFFFFFD0];
	[tilespmem:v15+s17+$0x0] =	vst.idx.msk $0xffff, v14;
	v14 =	vadd.f32 v21, v5  }
0x14e: {  	v22 =	vadd.s32 v1, v8;
	v17 =	vld [tilespmem:s0+$0x10];
	v13 =	vadd.f32 v16, v5;
	[tilespmem:v24+s17+$0x0] =	vst.idx.msk $0xffff, v18  }
0x14f: {  	s5 =	simm.s32 $0x8;
	v21 =	vadd.s32 v1, v10;
	[tilespmem:v29+s17+$0x0] =	vst.idx.msk $0xffff, v14;
	v18 =	vadd.f32 v28, v6;
	v16 =	vld [tilespmem:s16+$0xFFFFFFF0]  }
0x150: {  	v24 =	vmov s5;
	v14 =	vadd.s32 v1, v11;
	v15 =	vld [tilespmem:s16+$0x30];
	[tilespmem:v23+s17+$0x0] =	vst.idx.msk $0xffff, v13;
	v63 =	vadd.f32 v26, v4  }
0x151: {  	s1 =	simm.s32 $0x8680;
	s19 =	simm.s32 $0xB;
	v19 =	vadd.s32 v3, v19;
	v13 =	vand.u32 $0x7C, v24;
	v24 =	vadd.f32 v27, v6;
	[tilespmem:v25+s17+$0x0] =	vst.idx.msk $0xffff, v18;
	v18 =	vld [tilespmem:s16+$0xFFFFFFB0]  }
0x152: {  	v20 =	vadd.s32 v3, v20;
	v26 =	vmov s19;
	v23 =	vld [tilespmem:s1+$0x40];
	s16 =	simm.s32 $0xC;
	v25 =	vadd.f32 v30, v6;
	[tilespmem:v31+s17+$0x0] =	vst.idx.msk $0xffff, v63  }
.LBB2_9:
0x153: {  	p0 =	slt.u32 s16, $0x7C;
	s19 =	sadd.s32 $0x1, s5;
	v26 =	vand.u32 $0x7F, v26;
	[tilespmem:v22+s17+$0x0] =	vst.idx.msk $0xffff, v24;
	v17 =	vadd.f32 v17, v6;
	v22 =	vld [tilespmem:s0+$0x60];
	v24 =	vadd.s32 v3, v12  }
0x154: {  	v30 =	vmovc v11;
	v27 =	vld [tilespmem:s1+$0xFFFFFF80];
	v28 =	vmov s19;
	s19 =	sadd.s32 $0x2, s5;
	v29 =	vadd.s32 v0, v26;
	[tilespmem:v21+s17+$0x0] =	vst.idx.msk $0xffff, v25;
	v16 =	vadd.f32 v16, v4;
	s5 =	smov.u32 s16  }
0x155: {  	v12 =	vmovc v8;
	v21 =	vld [tilespmem:s1+$0xFFFFFFC0];
	v11 =	vmov s19;
	[tilespmem:v14+s17+$0x0] =	vst.idx.msk $0xffff, v17;
	v14 =	vadd.s32 v2, v7;
	v15 =	vadd.f32 v15, v4  }
0x156: {  	v17 =	vadd.s32 v0, v13;
	v28 =	vand.u32 $0x7D, v28;
	v25 =	vld [tilespmem:s1+$0x0];
	v31 =	vadd.f32 v18, v4;
	[tilespmem:v19+s17+$0x0] =	vst.idx.msk $0xffff, v16  }
0x157: {  	v16 =	vadd.s32 v0, v28;
	v11 =	vand.u32 $0x7E, v11;
	v18 =	vadd.f32 v23, v9;
	v19 =	vld [tilespmem:s0+$0xFFFFFFE0];
	[tilespmem:v20+s17+$0x0] =	vst.idx.msk $0xffff, v15  }
0x158: {  	v8 =	vmov v13;
	v15 =	vadd.s32 v0, v11;
	v20 =	vld [tilespmem:s0+$0x20];
	v22 =	vadd.f32 v22, v5;
	[tilespmem:v24+s17+$0x0] =	vst.idx.msk $0xffff, v31  }
0x159: {  	v23 =	vadd.s32 v2, v10;
	v13 =	vadd.f32 v27, v9;
	[tilespmem:v29+s17+$0x0] =	vst.idx.msk $0xffff, v18;
	v18 =	vld [tilespmem:s0+$0xFFFFFFA0]  }
0x15a: {  	v27 =	vadd.s32 v2, v30;
	v21 =	vadd.f32 v21, v9;
	v24 =	vld [tilespmem:s1+$0x50];
	[tilespmem:v14+s17+$0x0] =	vst.idx.msk $0xffff, v22  }
0x15b: {  	[tilespmem:v17+s17+$0x0] =	vst.idx.msk $0xffff, v13;
	v13 =	vadd.f32 v25, v9;
	v25 =	vadd.s32 v2, v12;
	v29 =	vld [tilespmem:s0+$0x70]  }
0x15c: {  	v32 =	vadd.s32 v1, v26;
	v31 =	vld [tilespmem:s1+$0xFFFFFF90];
	[tilespmem:v16+s17+$0x0] =	vst.idx.msk $0xffff, v21;
	v14 =	vadd.f32 v19, v5  }
0x15d: {  	v34 =	vadd.s32 v3, v7;
	v7 =	vmov v26;
	v33 =	vld [tilespmem:s1+$0xFFFFFFD0];
	[tilespmem:v15+s17+$0x0] =	vst.idx.msk $0xffff, v13;
	v13 =	vadd.f32 v20, v5  }
.Ltmp4:
0x15e: {  	v22 =	vadd.s32 v1, v8;
	v17 =	vld [tilespmem:s1+$0x10];
	v15 =	vadd.f32 v18, v5;
	[tilespmem:v23+s17+$0x0] =	vst.idx.msk $0xffff, v14;
	(pc) =	sbr.rel @p0 .LBB2_9-.Ltmp4, $4  }
0x15f: {  	v21 =	vadd.s32 v1, v28;
	v18 =	vadd.f32 v24, v6;
	v16 =	vld [tilespmem:s0+$0xFFFFFFF0];
	[tilespmem:v27+s17+$0x0] =	vst.idx.msk $0xffff, v13  }
0x160: {  	v14 =	vadd.s32 v1, v11;
	v13 =	vmov s16;
	[tilespmem:v25+s17+$0x0] =	vst.idx.msk $0xffff, v15;
	v15 =	vld [tilespmem:s0+$0x30];
	v27 =	vadd.f32 v29, v4  }
0x161: {  	s19 =	sadd.s32 $0x3, s16;
	v19 =	vadd.s32 v3, v10;
	v13 =	vand.u32 $0x7C, v13;
	v24 =	vadd.f32 v31, v6;
	[tilespmem:v32+s17+$0x0] =	vst.idx.msk $0xffff, v18;
	v18 =	vld [tilespmem:s0+$0xFFFFFFB0];
	s0 =	smov.u32 s1;
	s1 =	sadd.s32 $0x100, s1  }
0x162: {  	v26 =	vmov s19;
	v10 =	vmovc v28;
	v20 =	vadd.s32 v3, v30;
	s16 =	sadd.s32 $0x4, s16;
	v23 =	vld [tilespmem:s1+$0x40];
	v25 =	vadd.f32 v33, v6;
	[tilespmem:v34+s17+$0x0] =	vst.idx.msk $0xffff, v27  }
0x163: {  	s16 =	sadd.s32 $0x1, s5  }
0x164: {  	v26 =	vand.u32 $0x7F, v26;
	s23 =	sadd.s32 $0x2, s5;
	v28 =	vld [tilespmem:s1+$0xFFFFFFC0];
	v27 =	vmov s16  }
0x165: {  	v31 =	vld [tilespmem:s1+$0x0];
	v29 =	vmov s23;
	v30 =	vadd.s32 v0, v26;
	v27 =	vand.u32 $0x7D, v27  }
0x166: {  	v32 =	vld [tilespmem:s1+$0xFFFFFF80];
	v29 =	vand.u32 $0x7E, v29;
	v33 =	vadd.s32 v0, v27  }
0x167: {  	v34 =	vadd.s32 v0, v29  }
0x168: {  	[tilespmem:v22+s17+$0x0] =	vst.idx.msk $0xffff, v24;
	v44 =	vadd.s32 v0, v13;
	v23 =	vadd.f32 v23, v9  }
0x169: {  	[tilespmem:v21+s17+$0x0] =	vst.idx.msk $0xffff, v25;
	v45 =	vadd.f32 v28, v9  }
0x16a: {  	v46 =	vadd.f32 v31, v9;
	[tilespmem:v30+s17+$0x0] =	vst.idx.msk $0xffff, v23  }
0x16b: {  	v47 =	vadd.f32 v32, v9;
	v48 =	vld [tilespmem:s1+$0x50];
	[tilespmem:v33+s17+$0x0] =	vst.idx.msk $0xffff, v45  }
0x16c: {  	v17 =	vadd.f32 v17, v6;
	v12 =	vadd.s32 v3, v12;
	[tilespmem:v34+s17+$0x0] =	vst.idx.msk $0xffff, v46;
	v21 =	vld [tilespmem:s1+$0xFFFFFFD0]  }
0x16d: {  	v16 =	vadd.f32 v16, v4;
	v49 =	vadd.s32 v1, v26;
	[tilespmem:v44+s17+$0x0] =	vst.idx.msk $0xffff, v47;
	v50 =	vld [tilespmem:s1+$0x10]  }
0x16e: {  	[tilespmem:v14+s17+$0x0] =	vst.idx.msk $0xffff, v17;
	v51 =	vadd.f32 v15, v4;
	v53 =	vadd.s32 v1, v27;
	v52 =	vld [tilespmem:s1+$0xFFFFFF90]  }
0x16f: {  	v54 =	vld [tilespmem:s0+$0x60];
	v18 =	vadd.f32 v18, v4;
	[tilespmem:v19+s17+$0x0] =	vst.idx.msk $0xffff, v16;
	v55 =	vadd.s32 v1, v29  }
0x170: {  	v57 =	vadd.s32 v1, v13;
	v60 =	vld [tilespmem:s0+$0x20];
	[tilespmem:v20+s17+$0x0] =	vst.idx.msk $0xffff, v51;
	v58 =	vadd.f32 v48, v6  }
0x171: {  	v59 =	vadd.s32 v2, v7;
	v56 =	vld [tilespmem:s0+$0xFFFFFFE0];
	[tilespmem:v12+s17+$0x0] =	vst.idx.msk $0xffff, v18;
	v61 =	vadd.f32 v21, v6  }
0x172: {  	v62 =	vld [tilespmem:s0+$0xFFFFFFA0];
	v30 =	vadd.s32 v2, v11;
	[tilespmem:v49+s17+$0x0] =	vst.idx.msk $0xffff, v58;
	v28 =	vadd.f32 v50, v6  }
0x173: {  	v63 =	vadd.s32 v2, v10;
	v31 =	vadd.f32 v52, v6;
	v32 =	vld [tilespmem:s1+$0x60];
	[tilespmem:v53+s17+$0x0] =	vst.idx.msk $0xffff, v61  }
0x174: {  	v33 =	vadd.f32 v54, v5;
	v34 =	vadd.s32 v2, v8;
	[tilespmem:v55+s17+$0x0] =	vst.idx.msk $0xffff, v28;
	v35 =	vld [tilespmem:s1+$0xFFFFFFE0]  }
0x175: {  	v37 =	vadd.s32 v2, v26;
	v39 =	vadd.f32 v60, v5;
	[tilespmem:v57+s17+$0x0] =	vst.idx.msk $0xffff, v31;
	v38 =	vld [tilespmem:s1+$0x20]  }
0x176: {  	v41 =	vadd.s32 v2, v27;
	v36 =	vadd.f32 v56, v5;
	[tilespmem:v59+s17+$0x0] =	vst.idx.msk $0xffff, v33;
	v40 =	vld [tilespmem:s1+$0xFFFFFFA0]  }
0x177: {  	v43 =	vadd.s32 v2, v29;
	v18 =	vadd.f32 v62, v5;
	v42 =	vld [tilespmem:s0+$0x70];
	[tilespmem:v30+s17+$0x0] =	vst.idx.msk $0xffff, v39  }
0x178: {  	v45 =	vadd.s32 v2, v13;
	[tilespmem:v63+s17+$0x0] =	vst.idx.msk $0xffff, v36;
	v47 =	vld [tilespmem:s0+$0x30];
	v44 =	vadd.f32 v32, v5  }
0x179: {  	v46 =	vadd.s32 v3, v7;
	[tilespmem:v34+s17+$0x0] =	vst.idx.msk $0xffff, v18;
	v21 =	vld [tilespmem:s0+$0xFFFFFFF0];
	v9 =	vadd.f32 v35, v5  }
0x17a: {  	v18 =	vld [tilespmem:s0+$0xFFFFFFB0];
	v50 =	vadd.s32 v3, v11;
	[tilespmem:v37+s17+$0x0] =	vst.idx.msk $0xffff, v44;
	v49 =	vadd.f32 v38, v5  }
0x17b: {  	v48 =	vadd.s32 v3, v10;
	v5 =	vadd.f32 v40, v5;
	v12 =	vld [tilespmem:s1+$0x70];
	[tilespmem:v41+s17+$0x0] =	vst.idx.msk $0xffff, v9  }
0x17c: {  	v52 =	vadd.s32 v3, v8;
	v51 =	vadd.f32 v42, v4;
	[tilespmem:v43+s17+$0x0] =	vst.idx.msk $0xffff, v49;
	v53 =	vld [tilespmem:s1+$0xFFFFFFF0]  }
0x17d: {  	v55 =	vadd.s32 v3, v26;
	v56 =	vadd.f32 v47, v4;
	[tilespmem:v45+s17+$0x0] =	vst.idx.msk $0xffff, v5;
	v5 =	vld [tilespmem:s1+$0x30]  }
0x17e: {  	v58 =	vadd.s32 v3, v27;
	[tilespmem:v46+s17+$0x0] =	vst.idx.msk $0xffff, v51;
	v54 =	vadd.f32 v21, v4;
	v57 =	vld [tilespmem:s1+$0xFFFFFFB0]  }
0x17f: {  	v60 =	vadd.s32 v3, v29;
	v59 =	vadd.f32 v18, v4;
	[tilespmem:v50+s17+$0x0] =	vst.idx.msk $0xffff, v56  }
0x180: {  	v62 =	vadd.s32 v3, v13;
	[tilespmem:v48+s17+$0x0] =	vst.idx.msk $0xffff, v54;
	v61 =	vadd.f32 v12, v4  }
0x181: {  	[tilespmem:v52+s17+$0x0] =	vst.idx.msk $0xffff, v59;
	v63 =	vadd.f32 v53, v4  }
0x182: {  	s16 =	sshll.u32 s30, $0x7;
	[tilespmem:v55+s17+$0x0] =	vst.idx.msk $0xffff, v61;
	v5 =	vadd.f32 v5, v4  }
0x183: {  	s19 =	sshll.u32 s31, $0xF;
	s0 =	sand.u32 $0xF80, s16;
	v4 =	vadd.f32 v57, v4;
	[tilespmem:v58+s17+$0x0] =	vst.idx.msk $0xffff, v63  }
0x184: {  	s0 =	sor.u32 s0, s19;
	[tilespmem:v60+s17+$0x0] =	vst.idx.msk $0xffff, v5  }
0x185: {  	s1 =	sadd.s32 s2, s0;
	[tilespmem:v62+s17+$0x0] =	vst.idx.msk $0xffff, v4  }
0x186: {  	[hbm4b:s1+s3] =	stream.linear.scatter [tilespmem:s17], [sflag:$0x4], $0x80, $0x38;
	[tilespmem:$0x11A00] =	vst v63  }
0x187: {  	s23 =	simm.s32 $0xC688;
	s20 =	sadd.s32 $0x10, s1  }
0x188: {  	[hbm4b:s20+s3] =	stream.linear.scatter [tilespmem:s23], [sflag:$0x4], $0x80, $0x38;
	[tilespmem:$0x11A00] =	vst v63  }
0x189: {  	s31 =	simm.s32 $0xC710;
	s30 =	sadd.s32 $0x20, s1  }
0x18a: {  	[hbm4b:s30+s3] =	stream.linear.scatter [tilespmem:s31], [sflag:$0x4], $0x80, $0x38;
	[tilespmem:$0x11A00] =	vst v63  }
0x18b: {  	s19 =	simm.s32 $0xC798;
	s16 =	sadd.s32 $0x30, s1  }
0x18c: {  	[hbm4b:s16+s3] =	stream.linear.scatter [tilespmem:s19], [sflag:$0x4], $0x80, $0x38;
	[tilespmem:$0x11A00] =	vst v63  }
0x18d: {  	s20 =	sadd.s32 $0x40, s1;
	s23 =	simm.s32 $0xC820  }
0x18e: {  	[hbm4b:s20+s3] =	stream.linear.scatter [tilespmem:s23], [sflag:$0x4], $0x80, $0x38;
	[tilespmem:$0x11A00] =	vst v63  }
0x18f: {  	s30 =	sadd.s32 $0x50, s1;
	s31 =	simm.s32 $0xC8A8  }
0x190: {  	[hbm4b:s30+s3] =	stream.linear.scatter [tilespmem:s31], [sflag:$0x4], $0x80, $0x38;
	[tilespmem:$0x11A00] =	vst v63  }
0x191: {  	s16 =	sadd.s32 $0x60, s1;
	s19 =	simm.s32 $0xC930  }
0x192: {  	[hbm4b:s16+s3] =	stream.linear.scatter [tilespmem:s19], [sflag:$0x4], $0x80, $0x38;
	[tilespmem:$0x11A00] =	vst v63  }
0x193: {  	s1 =	sadd.s32 $0x70, s1;
	s20 =	simm.s32 $0xC9B8  }
0x194: {  	[hbm4b:s1+s3] =	stream.linear.scatter [tilespmem:s20], [sflag:$0x4], $0x80, $0x38;
	[tilespmem:$0x11A00] =	vst v63  }
0x195: {  	s23 =	simm.s32 $0xCA40;
	s1 =	sadd.s32 s0, s8  }
0x196: {  	[hbm4b:s1+s3] =	stream.linear.scatter [tilespmem:s23], [sflag:$0x4], $0x80, $0x38;
	[tilespmem:$0x11A00] =	vst v63  }
0x197: {  	s31 =	simm.s32 $0xCAC8;
	s30 =	sadd.s32 $0x10, s1  }
0x198: {  	[hbm4b:s30+s3] =	stream.linear.scatter [tilespmem:s31], [sflag:$0x4], $0x80, $0x38;
	[tilespmem:$0x11A00] =	vst v63  }
0x199: {  	s19 =	simm.s32 $0xCB50;
	s16 =	sadd.s32 $0x20, s1  }
0x19a: {  	[hbm4b:s16+s3] =	stream.linear.scatter [tilespmem:s19], [sflag:$0x4], $0x80, $0x38;
	[tilespmem:$0x11A00] =	vst v63  }
0x19b: {  	s20 =	sadd.s32 $0x30, s1;
	s23 =	simm.s32 $0xCBD8  }
0x19c: {  	[hbm4b:s20+s3] =	stream.linear.scatter [tilespmem:s23], [sflag:$0x4], $0x80, $0x38;
	[tilespmem:$0x11A00] =	vst v63  }
0x19d: {  	s30 =	sadd.s32 $0x40, s1;
	s31 =	simm.s32 $0xCC60  }
0x19e: {  	[hbm4b:s30+s3] =	stream.linear.scatter [tilespmem:s31], [sflag:$0x4], $0x80, $0x38;
	[tilespmem:$0x11A00] =	vst v63  }
0x19f: {  	s16 =	sadd.s32 $0x50, s1;
	s19 =	simm.s32 $0xCCE8  }
0x1a0: {  	[hbm4b:s16+s3] =	stream.linear.scatter [tilespmem:s19], [sflag:$0x4], $0x80, $0x38;
	[tilespmem:$0x11A00] =	vst v63  }
0x1a1: {  	s20 =	sadd.s32 $0x60, s1;
	s23 =	simm.s32 $0xCD70  }
0x1a2: {  	[hbm4b:s20+s3] =	stream.linear.scatter [tilespmem:s23], [sflag:$0x4], $0x80, $0x38;
	[tilespmem:$0x11A00] =	vst v63  }
0x1a3: {  	s1 =	sadd.s32 $0x70, s1;
	s30 =	simm.s32 $0xCDF8  }
0x1a4: {  	[hbm4b:s1+s3] =	stream.linear.scatter [tilespmem:s30], [sflag:$0x4], $0x80, $0x38;
	[tilespmem:$0x11A00] =	vst v63  }
0x1a5: {  	s31 =	simm.s32 $0xCE80;
	s1 =	sadd.s32 s0, s9  }
0x1a6: {  	[hbm4b:s1+s3] =	stream.linear.scatter [tilespmem:s31], [sflag:$0x4], $0x80, $0x38;
	[tilespmem:$0x11A00] =	vst v63  }
0x1a7: {  	s19 =	simm.s32 $0xCF08;
	s16 =	sadd.s32 $0x10, s1  }
0x1a8: {  	[hbm4b:s16+s3] =	stream.linear.scatter [tilespmem:s19], [sflag:$0x4], $0x80, $0x38;
	[tilespmem:$0x11A00] =	vst v63  }
0x1a9: {  	s23 =	simm.s32 $0xCF90;
	s20 =	sadd.s32 $0x20, s1  }
0x1aa: {  	[hbm4b:s20+s3] =	stream.linear.scatter [tilespmem:s23], [sflag:$0x4], $0x80, $0x38;
	[tilespmem:$0x11A00] =	vst v63  }
0x1ab: {  	s30 =	sadd.s32 $0x30, s1;
	s31 =	simm.s32 $0xD018  }
0x1ac: {  	[hbm4b:s30+s3] =	stream.linear.scatter [tilespmem:s31], [sflag:$0x4], $0x80, $0x38;
	[tilespmem:$0x11A00] =	vst v63  }
0x1ad: {  	s16 =	sadd.s32 $0x40, s1;
	s19 =	simm.s32 $0xD0A0  }
0x1ae: {  	[hbm4b:s16+s3] =	stream.linear.scatter [tilespmem:s19], [sflag:$0x4], $0x80, $0x38;
	[tilespmem:$0x11A00] =	vst v63  }
0x1af: {  	s20 =	sadd.s32 $0x50, s1;
	s23 =	simm.s32 $0xD128  }
0x1b0: {  	[hbm4b:s20+s3] =	stream.linear.scatter [tilespmem:s23], [sflag:$0x4], $0x80, $0x38;
	[tilespmem:$0x11A00] =	vst v63  }
0x1b1: {  	s30 =	sadd.s32 $0x60, s1;
	s31 =	simm.s32 $0xD1B0  }
0x1b2: {  	[hbm4b:s30+s3] =	stream.linear.scatter [tilespmem:s31], [sflag:$0x4], $0x80, $0x38;
	[tilespmem:$0x11A00] =	vst v63  }
0x1b3: {  	s1 =	sadd.s32 $0x70, s1;
	s16 =	simm.s32 $0xD238  }
0x1b4: {  	[hbm4b:s1+s3] =	stream.linear.scatter [tilespmem:s16], [sflag:$0x4], $0x80, $0x38;
	[tilespmem:$0x11A00] =	vst v63  }
0x1b5: {  	s19 =	simm.s32 $0xD2C0;
	s1 =	sadd.s32 s0, s10  }
0x1b6: {  	[hbm4b:s1+s3] =	stream.linear.scatter [tilespmem:s19], [sflag:$0x4], $0x80, $0x38;
	[tilespmem:$0x11A00] =	vst v63  }
0x1b7: {  	s23 =	simm.s32 $0xD348;
	s20 =	sadd.s32 $0x10, s1  }
0x1b8: {  	[hbm4b:s20+s3] =	stream.linear.scatter [tilespmem:s23], [sflag:$0x4], $0x80, $0x38;
	[tilespmem:$0x11A00] =	vst v63  }
0x1b9: {  	s31 =	simm.s32 $0xD3D0;
	s30 =	sadd.s32 $0x20, s1  }
0x1ba: {  	[hbm4b:s30+s3] =	stream.linear.scatter [tilespmem:s31], [sflag:$0x4], $0x80, $0x38;
	[tilespmem:$0x11A00] =	vst v63  }
0x1bb: {  	s16 =	sadd.s32 $0x30, s1;
	s19 =	simm.s32 $0xD458  }
0x1bc: {  	[hbm4b:s16+s3] =	stream.linear.scatter [tilespmem:s19], [sflag:$0x4], $0x80, $0x38;
	[tilespmem:$0x11A00] =	vst v63  }
0x1bd: {  	s20 =	sadd.s32 $0x40, s1;
	s23 =	simm.s32 $0xD4E0  }
0x1be: {  	[hbm4b:s20+s3] =	stream.linear.scatter [tilespmem:s23], [sflag:$0x4], $0x80, $0x38;
	[tilespmem:$0x11A00] =	vst v63  }
0x1bf: {  	s30 =	sadd.s32 $0x50, s1;
	s31 =	simm.s32 $0xD568  }
0x1c0: {  	[hbm4b:s30+s3] =	stream.linear.scatter [tilespmem:s31], [sflag:$0x4], $0x80, $0x38;
	[tilespmem:$0x11A00] =	vst v63  }
0x1c1: {  	s16 =	sadd.s32 $0x60, s1;
	s19 =	simm.s32 $0xD5F0  }
0x1c2: {  	[hbm4b:s16+s3] =	stream.linear.scatter [tilespmem:s19], [sflag:$0x4], $0x80, $0x38;
	[tilespmem:$0x11A00] =	vst v63  }
0x1c3: {  	s1 =	sadd.s32 $0x70, s1;
	s20 =	simm.s32 $0xD678  }
0x1c4: {  	[hbm4b:s1+s3] =	stream.linear.scatter [tilespmem:s20], [sflag:$0x4], $0x80, $0x38;
	[tilespmem:$0x11A00] =	vst v63  }
0x1c5: {  	s23 =	simm.s32 $0xD700;
	s1 =	sadd.s32 s0, s11  }
0x1c6: {  	[hbm4b:s1+s3] =	stream.linear.scatter [tilespmem:s23], [sflag:$0x4], $0x80, $0x38;
	[tilespmem:$0x11A00] =	vst v63  }
0x1c7: {  	s31 =	simm.s32 $0xD788;
	s30 =	sadd.s32 $0x10, s1  }
0x1c8: {  	[hbm4b:s30+s3] =	stream.linear.scatter [tilespmem:s31], [sflag:$0x4], $0x80, $0x38;
	[tilespmem:$0x11A00] =	vst v63  }
0x1c9: {  	s19 =	simm.s32 $0xD810;
	s16 =	sadd.s32 $0x20, s1  }
0x1ca: {  	[hbm4b:s16+s3] =	stream.linear.scatter [tilespmem:s19], [sflag:$0x4], $0x80, $0x38;
	[tilespmem:$0x11A00] =	vst v63  }
0x1cb: {  	s20 =	sadd.s32 $0x30, s1;
	s23 =	simm.s32 $0xD898  }
0x1cc: {  	[hbm4b:s20+s3] =	stream.linear.scatter [tilespmem:s23], [sflag:$0x4], $0x80, $0x38;
	[tilespmem:$0x11A00] =	vst v63  }
0x1cd: {  	s30 =	sadd.s32 $0x40, s1;
	s31 =	simm.s32 $0xD920  }
0x1ce: {  	[hbm4b:s30+s3] =	stream.linear.scatter [tilespmem:s31], [sflag:$0x4], $0x80, $0x38;
	[tilespmem:$0x11A00] =	vst v63  }
0x1cf: {  	s16 =	sadd.s32 $0x50, s1;
	s19 =	simm.s32 $0xD9A8  }
0x1d0: {  	[hbm4b:s16+s3] =	stream.linear.scatter [tilespmem:s19], [sflag:$0x4], $0x80, $0x38;
	[tilespmem:$0x11A00] =	vst v63  }
0x1d1: {  	s20 =	sadd.s32 $0x60, s1;
	s23 =	simm.s32 $0xDA30  }
0x1d2: {  	[hbm4b:s20+s3] =	stream.linear.scatter [tilespmem:s23], [sflag:$0x4], $0x80, $0x38;
	[tilespmem:$0x11A00] =	vst v63  }
0x1d3: {  	s1 =	sadd.s32 $0x70, s1;
	s30 =	simm.s32 $0xDAB8  }
0x1d4: {  	[hbm4b:s1+s3] =	stream.linear.scatter [tilespmem:s30], [sflag:$0x4], $0x80, $0x38;
	[tilespmem:$0x11A00] =	vst v63  }
0x1d5: {  	s31 =	simm.s32 $0xDB40;
	s1 =	sadd.s32 s0, s12  }
0x1d6: {  	[hbm4b:s1+s3] =	stream.linear.scatter [tilespmem:s31], [sflag:$0x4], $0x80, $0x38;
	[tilespmem:$0x11A00] =	vst v63  }
0x1d7: {  	s19 =	simm.s32 $0xDBC8;
	s16 =	sadd.s32 $0x10, s1  }
0x1d8: {  	[hbm4b:s16+s3] =	stream.linear.scatter [tilespmem:s19], [sflag:$0x4], $0x80, $0x38;
	[tilespmem:$0x11A00] =	vst v63  }
0x1d9: {  	s23 =	simm.s32 $0xDC50;
	s20 =	sadd.s32 $0x20, s1  }
0x1da: {  	[hbm4b:s20+s3] =	stream.linear.scatter [tilespmem:s23], [sflag:$0x4], $0x80, $0x38;
	[tilespmem:$0x11A00] =	vst v63  }
0x1db: {  	s30 =	sadd.s32 $0x30, s1;
	s31 =	simm.s32 $0xDCD8  }
0x1dc: {  	[hbm4b:s30+s3] =	stream.linear.scatter [tilespmem:s31], [sflag:$0x4], $0x80, $0x38;
	[tilespmem:$0x11A00] =	vst v63  }
0x1dd: {  	s16 =	sadd.s32 $0x40, s1;
	s19 =	simm.s32 $0xDD60  }
0x1de: {  	[hbm4b:s16+s3] =	stream.linear.scatter [tilespmem:s19], [sflag:$0x4], $0x80, $0x38;
	[tilespmem:$0x11A00] =	vst v63  }
0x1df: {  	s20 =	sadd.s32 $0x50, s1;
	s23 =	simm.s32 $0xDDE8  }
0x1e0: {  	[hbm4b:s20+s3] =	stream.linear.scatter [tilespmem:s23], [sflag:$0x4], $0x80, $0x38;
	[tilespmem:$0x11A00] =	vst v63  }
0x1e1: {  	s30 =	sadd.s32 $0x60, s1;
	s31 =	simm.s32 $0xDE70  }
0x1e2: {  	[hbm4b:s30+s3] =	stream.linear.scatter [tilespmem:s31], [sflag:$0x4], $0x80, $0x38;
	[tilespmem:$0x11A00] =	vst v63  }
0x1e3: {  	s1 =	sadd.s32 $0x70, s1;
	s16 =	simm.s32 $0xDEF8  }
0x1e4: {  	[hbm4b:s1+s3] =	stream.linear.scatter [tilespmem:s16], [sflag:$0x4], $0x80, $0x38;
	[tilespmem:$0x11A00] =	vst v63  }
0x1e5: {  	s19 =	simm.s32 $0xDF80;
	s1 =	sadd.s32 s0, s13  }
0x1e6: {  	[hbm4b:s1+s3] =	stream.linear.scatter [tilespmem:s19], [sflag:$0x4], $0x80, $0x38;
	[tilespmem:$0x11A00] =	vst v63  }
0x1e7: {  	s23 =	simm.s32 $0xE008;
	s20 =	sadd.s32 $0x10, s1  }
0x1e8: {  	[hbm4b:s20+s3] =	stream.linear.scatter [tilespmem:s23], [sflag:$0x4], $0x80, $0x38;
	[tilespmem:$0x11A00] =	vst v63  }
0x1e9: {  	s31 =	simm.s32 $0xE090;
	s30 =	sadd.s32 $0x20, s1  }
0x1ea: {  	[hbm4b:s30+s3] =	stream.linear.scatter [tilespmem:s31], [sflag:$0x4], $0x80, $0x38;
	[tilespmem:$0x11A00] =	vst v63  }
0x1eb: {  	s16 =	sadd.s32 $0x30, s1;
	s19 =	simm.s32 $0xE118  }
0x1ec: {  	[hbm4b:s16+s3] =	stream.linear.scatter [tilespmem:s19], [sflag:$0x4], $0x80, $0x38;
	[tilespmem:$0x11A00] =	vst v63  }
0x1ed: {  	s20 =	sadd.s32 $0x40, s1;
	s23 =	simm.s32 $0xE1A0  }
0x1ee: {  	[hbm4b:s20+s3] =	stream.linear.scatter [tilespmem:s23], [sflag:$0x4], $0x80, $0x38;
	[tilespmem:$0x11A00] =	vst v63  }
0x1ef: {  	s30 =	sadd.s32 $0x50, s1;
	s31 =	simm.s32 $0xE228  }
0x1f0: {  	[hbm4b:s30+s3] =	stream.linear.scatter [tilespmem:s31], [sflag:$0x4], $0x80, $0x38;
	[tilespmem:$0x11A00] =	vst v63  }
0x1f1: {  	s16 =	sadd.s32 $0x60, s1;
	s19 =	simm.s32 $0xE2B0  }
0x1f2: {  	[hbm4b:s16+s3] =	stream.linear.scatter [tilespmem:s19], [sflag:$0x4], $0x80, $0x38;
	[tilespmem:$0x11A00] =	vst v63  }
0x1f3: {  	s1 =	sadd.s32 $0x70, s1;
	s20 =	simm.s32 $0xE338  }
0x1f4: {  	[hbm4b:s1+s3] =	stream.linear.scatter [tilespmem:s20], [sflag:$0x4], $0x80, $0x38;
	[tilespmem:$0x11A00] =	vst v63  }
0x1f5: {  	s0 =	sadd.s32 s0, s14;
	s23 =	simm.s32 $0xE3C0  }
0x1f6: {  	[hbm4b:s0+s3] =	stream.linear.scatter [tilespmem:s23], [sflag:$0x4], $0x80, $0x38;
	[tilespmem:$0x11A00] =	vst v63  }
0x1f7: {  	s30 =	sadd.s32 $0x10, s0;
	s31 =	simm.s32 $0xE448  }
0x1f8: {  	[hbm4b:s30+s3] =	stream.linear.scatter [tilespmem:s31], [sflag:$0x4], $0x80, $0x38;
	[tilespmem:$0x11A00] =	vst v63  }
0x1f9: {  	s5 =	sadd.s32 $0x20, s0;
	s16 =	simm.s32 $0xE4D0  }
0x1fa: {  	[hbm4b:s5+s3] =	stream.linear.scatter [tilespmem:s16], [sflag:$0x4], $0x80, $0x38;
	[tilespmem:$0x11A00] =	vst v63  }
0x1fb: {  	s19 =	sadd.s32 $0x30, s0;
	s20 =	simm.s32 $0xE558  }
0x1fc: {  	[hbm4b:s19+s3] =	stream.linear.scatter [tilespmem:s20], [sflag:$0x4], $0x80, $0x38;
	[tilespmem:$0x11A00] =	vst v63  }
0x1fd: {  	s29 =	sadd.s32 $0x1, s29;
	s23 =	sadd.s32 $0x40, s0  }
0x1fe: {  	[hbm4b:s23+s3] =	stream.linear.scatter [tilespmem:s24], [sflag:$0x4], $0x80, $0x38;
	[tilespmem:$0x11A00] =	vst v63  }
0x1ff: {  	p0 =	sne.s32 s29, $0x64;
	s30 =	sadd.s32 $0x50, s0  }
0x200: {  	[hbm4b:s30+s3] =	stream.linear.scatter [tilespmem:s25], [sflag:$0x4], $0x80, $0x38;
	[tilespmem:$0x11A00] =	vst v63  }
.Ltmp5:
0x201: {  	_ = 	snop;
	(pc) =	sbr.rel @p0 .LBB2_2-.Ltmp5, $4  }
0x202: {  	s31 =	sadd.s32 $0x60, s0  }
0x203: {  	[hbm4b:s31+s3] =	stream.linear.scatter [tilespmem:s26], [sflag:$0x4], $0x80, $0x38;
	[tilespmem:$0x11A00] =	vst v63  }
0x204: {  	s0 =	sadd.s32 $0x70, s0  }
0x205: {  	[hbm4b:s0+s3] =	stream.linear.scatter [tilespmem:s28], [sflag:$0x4], $0x80, $0x38;
	[tilespmem:$0x11A00] =	vst v63  }
0x206: {  	s0 =	simm.s32 $0x3  }
0x207: {  	_ =	swait.ge [sflag:s0], $0x400  }
0x208: {  	[sflag:s0] =	ssyncset.done $0x0  }
0x209: {  	[sflag:s0] =	ssyncadd.s32 $0xFFFFFC00  }
0x20a: {  	_ =	swait.ge [sflag:s0], $0x400  }
0x20b: {  	[sflag:s0] =	ssyncset.done $0x0  }
0x20c: {  	[sflag:s0] =	ssyncadd.s32 $0xFFFFFC00  }
0x20d: {  	_ =	swait.ge [sflag:s0], $0x400  }
0x20e: {  	[sflag:s0] =	ssyncset.done $0x0  }
0x20f: {  	[sflag:s0] =	ssyncadd.s32 $0xFFFFFC00  }
0x210: {  	_ =	swait.ge [sflag:s0], $0x400  }
0x211: {  	[sflag:s0] =	ssyncset.done $0x0  }
0x212: {  	[sflag:s0] =	ssyncadd.s32 $0xFFFFFC00  }
0x213: {  	_ =	swait.ge [sflag:s0], $0x400  }
0x214: {  	[sflag:s0] =	ssyncset.done $0x0  }
0x215: {  	[sflag:s0] =	ssyncadd.s32 $0xFFFFFC00  }
0x216: {  	_ =	swait.ge [sflag:s0], $0x400  }
0x217: {  	[sflag:s0] =	ssyncset.done $0x0  }
0x218: {  	[sflag:s0] =	ssyncadd.s32 $0xFFFFFC00  }
0x219: {  	_ =	swait.ge [sflag:s0], $0x400  }
0x21a: {  	[sflag:s0] =	ssyncset.done $0x0  }
0x21b: {  	[sflag:s0] =	ssyncadd.s32 $0xFFFFFC00  }
0x21c: {  	_ =	swait.ge [sflag:s0], $0x400  }
0x21d: {  	[sflag:s0] =	ssyncset.done $0x0  }
0x21e: {  	[sflag:s0] =	ssyncadd.s32 $0xFFFFFC00  }
0x21f: {  	_ =	swait.ge [sflag:s15], $0x400  }
0x220: {  	[sflag:s15] =	ssyncset.done $0x0  }
0x221: {  	[sflag:s15] =	ssyncadd.s32 $0xFFFFFC00  }
0x222: {  	_ =	swait.ge [sflag:s15], $0x400  }
0x223: {  	[sflag:s15] =	ssyncset.done $0x0  }
0x224: {  	[sflag:s15] =	ssyncadd.s32 $0xFFFFFC00  }
0x225: {  	_ =	swait.ge [sflag:s15], $0x400  }
0x226: {  	[sflag:s15] =	ssyncset.done $0x0  }
0x227: {  	[sflag:s15] =	ssyncadd.s32 $0xFFFFFC00  }
0x228: {  	_ =	swait.ge [sflag:s15], $0x400  }
0x229: {  	[sflag:s15] =	ssyncset.done $0x0  }
0x22a: {  	[sflag:s15] =	ssyncadd.s32 $0xFFFFFC00  }
0x22b: {  	_ =	swait.ge [sflag:s15], $0x400  }
0x22c: {  	[sflag:s15] =	ssyncset.done $0x0  }
0x22d: {  	[sflag:s15] =	ssyncadd.s32 $0xFFFFFC00  }
0x22e: {  	_ =	swait.ge [sflag:s15], $0x400  }
0x22f: {  	[sflag:s15] =	ssyncset.done $0x0  }
0x230: {  	[sflag:s15] =	ssyncadd.s32 $0xFFFFFC00  }
0x231: {  	_ =	swait.ge [sflag:s15], $0x400  }
0x232: {  	[sflag:s15] =	ssyncset.done $0x0  }
0x233: {  	[sflag:s15] =	ssyncadd.s32 $0xFFFFFC00  }
0x234: {  	_ =	swait.ge [sflag:s15], $0x400  }
0x235: {  	s1 =	rddreg [dreg:$0x6]  }
0x236: {  	s31 =	rddreg [dreg:$0x5];
	s1 =	sadd.s32 $0x1, s1  }
0x237: {  	p0 =	sne.s32 s1, s31  }
.Ltmp6:
0x238: {  	_ = 	snop;
	(pc) =	sbr.rel @p0 .LBB2_1-.Ltmp6, $3  }
0x239: {  	_ =	sdelay $0x1  }
0x23a: {  	[sflag:s15] =	ssyncset.done $0x0  }
0x23b: {  	[sflag:s15] =	ssyncadd.s32 $0xFFFFFC00  }
0x23c: {  	_ =	sfence.sel $0x180000  }
0x23d: {  	[bflag:$0x0] =	sbarrier.arrive $0xFFFF  }
0x23e: {  	_ =	strace $0x90000047  }
0x23f: {  	s0 =	stileid.u32;
	[bflag:$0x2] =	sbarrier.arrive $0xFFFF  }
0x240: {  	p0 =	sne.s32 s0, $0x0;
	s0 =	rddreg [dreg:$0x2]  }
0x241: {  	s0 =	sadd.s32 @!p0 $0x100000, s0  }
0x242: {  	[sflag:s0] =	ssyncadd.tile.s32 @!p0 $0x1;
	_ =	shalt  }
.Lfunc_end2:
_tile_overlayer_lowered:
.L_overlay_start_2:
0x243: {  	(tag) =	ssettag $0x2  }
0x244: {  	s0 =	rddreg [dreg:$0x0];
	s2 =	stileid.u32  }
0x245: {  	s1 =	rddreg [dreg:$0x1];
	p0 =	sne.s32 s2, $0x0  }
0x246: {  	s3 =	rddreg [dreg:$0x2];
	[bflag:$0x3] =	sbarrier.arrive $0xFFFF;
	s2 =	simm.s32 @!p0 $0x1C05  }
0x247: {  	[timem:s3], [sflag:s2] =	dma.local @!p0 [hbm:s0], s1  }
0x248: {  	s0 =	simm.s32 @!p0 $0x5  }
0x249: {  	_ =	swait.ge @!p0 [sflag:s0], s1  }
0x24a: {  	s1 =	ssub.s32 @!p0 $0x0, s1;
	[sflag:s0] =	ssyncset.done @!p0 $0x0  }
0x24b: {  	[sflag:s0] =	ssyncadd.s32 @!p0 s1  }
0x24c: {  	[bflag:$0x3] =	sbarrier.arrive $0xFFFF  }
0x24d: {  	_ =	shalt  }

</sc_bundles>
